<compile_context>
chip_gen: v7x
topology: tpu7x:2x2x1
jax: 0.10.2.dev20260603
libtpu: 0.0.44.dev20260713+nightly
codegen_flags: <defaults>
</compile_context>

<pallas_src>
import functools
import math

import jax
import jax.numpy as jnp
from jax import lax
from jax.experimental import pallas as pl
from jax.experimental.pallas import tpu as pltpu
from jax.experimental.pallas import tpu_sc as plsc

_BLK = 1024
_H = 256
_CH = 128


def _prep_body(tab_ref, logit_ref, tab2_ref, ls_ref, llcs_ref):
    tab = tab_ref[...]
    tab2_ref[...] = tab + tab
    mx = jnp.max(tab, axis=1, keepdims=True)
    ex = jnp.exp(tab - mx)
    ls_ref[...] = tab - (jnp.log(jnp.sum(ex, axis=1, keepdims=True)) + mx)
    lg = logit_ref[...]
    ml = jnp.max(lg)
    llc = lg - (jnp.log(jnp.sum(jnp.exp(lg - ml))) + ml)
    llcs_ref[...] = llc * (-1.0 / math.log(2.0))


def _vq_body(p_ref, pn_ref, tn_ref, tab_hbm, llcs_hbm,
             idx_ref, bit_ref,
             tab_v, llcs_v, cnt_v, sem):
    i = pl.program_id(0)
    nblk = pl.num_programs(0)
    d = tab_v.shape[0]

    @pl.when(i == 0)
    def _load_tables():
        c1 = pltpu.make_async_copy(tab_hbm, tab_v, sem)
        c2 = pltpu.make_async_copy(llcs_hbm, llcs_v, sem)
        c1.start(); c2.start()
        c1.wait(); c2.wait()
        cnt_v[...] = jnp.zeros((1, d), jnp.float32)

    tn = tn_ref[...]
    pncol = pn_ref[...].reshape(1, _BLK).T
    for h in range(_BLK // _H):
        p = jnp.clip(p_ref[pl.ds(h * _H, _H), :], -1.0, 1.0)
        pn = pncol[h * _H:(h + 1) * _H, :]
        s2 = jax.lax.dot_general(
            p, tab_v[...], (((1,), (1,)), ((), ())),
            preferred_element_type=jnp.float32)
        dist = (tn + pn) - s2
        idx = jnp.argmin(dist, axis=1)
        iota = jax.lax.broadcasted_iota(jnp.int32, dist.shape, 1)
        ohf = (iota == idx[:, None]).astype(jnp.float32)
        cnt_v[...] += jnp.sum(ohf, axis=0, keepdims=True)
        idx_ref[0, 0, pl.ds(h * _H, _H)] = idx

    @pl.when(i == nblk - 1)
    def _finish():
        bit_ref[0, 0] = jnp.sum(cnt_v[...] * llcs_v[...])


def _make_sc_gather(tokens, d, c):
    info = plsc.get_sparse_core_info()
    nw = info.num_cores * info.num_subcores
    bpw = tokens // nw
    mesh = plsc.VectorSubcoreMesh(core_axis_name="c", subcore_axis_name="s")

    @functools.partial(
        pl.kernel, mesh=mesh,
        out_type=[
            jax.ShapeDtypeStruct((tokens, c), jnp.float32),
            jax.ShapeDtypeStruct((tokens, c), jnp.float32),
        ],
        scratch_types=[
            pltpu.VMEM((_CH,), jnp.int32),
            pltpu.VMEM((_CH, c), jnp.float32),
            pltpu.VMEM((_CH, c), jnp.float32),
            pltpu.SemaphoreType.DMA,
            pltpu.SemaphoreType.DMA,
        ],
    )
    def gather(tab_hbm, ls_hbm, idx_hbm, pq_hbm, lpmf_hbm,
               idx_v, ra, rb, sa, sb):
        wid = lax.axis_index("s") * info.num_cores + lax.axis_index("c")
        base = wid * bpw
        for j in range(bpw // _CH):
            off = base + j * _CH
            pltpu.sync_copy(idx_hbm.at[pl.ds(off, _CH)], idx_v)
            ca = pltpu.async_copy(tab_hbm.at[idx_v], ra, sa)
            cb = pltpu.async_copy(ls_hbm.at[idx_v], rb, sb)
            ca.wait()
            cb.wait()
            pltpu.sync_copy(ra, pq_hbm.at[pl.ds(off, _CH)])
            pltpu.sync_copy(rb, lpmf_hbm.at[pl.ds(off, _CH)])

    return gather


def kernel(params, param_table, logits):
    a, b, c = params.shape
    d = param_table.shape[0]
    tokens = a * b
    p2 = params.reshape(tokens, c)
    lg2 = logits.reshape(1, d)
    grid = tokens // _BLK

    pclip = jnp.clip(p2, -1.0, 1.0)
    pn = jnp.sum(pclip ** 2, axis=-1).reshape(grid, 1, _BLK)
    tn = jnp.sum(param_table ** 2, axis=-1).reshape(1, d)

    tab2, ls, llcs = pl.pallas_call(
        _prep_body,
        out_shape=[
            jax.ShapeDtypeStruct((d, c), jnp.float32),
            jax.ShapeDtypeStruct((d, c), jnp.float32),
            jax.ShapeDtypeStruct((1, d), jnp.float32),
        ],
    )(param_table, lg2)

    idx3, bit = pl.pallas_call(
        _vq_body,
        grid=(grid,),
        in_specs=[
            pl.BlockSpec((_BLK, c), lambda i: (i, 0)),
            pl.BlockSpec((1, 1, _BLK), lambda i: (i, 0, 0)),
            pl.BlockSpec((1, d), lambda i: (0, 0)),
            pl.BlockSpec(memory_space=pl.ANY),
            pl.BlockSpec(memory_space=pl.ANY),
        ],
        out_specs=[
            pl.BlockSpec((1, 1, _BLK), lambda i: (i, 0, 0)),
            pl.BlockSpec(memory_space=pltpu.SMEM),
        ],
        out_shape=[
            jax.ShapeDtypeStruct((grid, 1, _BLK), jnp.int32),
            jax.ShapeDtypeStruct((1, 1), jnp.float32),
        ],
        scratch_shapes=[
            pltpu.VMEM((d, c), jnp.float32),
            pltpu.VMEM((1, d), jnp.float32),
            pltpu.VMEM((1, d), jnp.float32),
            pltpu.SemaphoreType.DMA,
        ],
        compiler_params=pltpu.CompilerParams(
            dimension_semantics=("arbitrary",),
        ),
    )(p2, pn, tn, tab2, llcs)

    idx1 = idx3.reshape(tokens)
    pq, lpmf = _make_sc_gather(tokens, d, c)(param_table, ls, idx1)

    return (lpmf.reshape(a, b, c), pq.reshape(a, b, c), bit[0, 0])

# --- scband reference (transcript-rebuilt; emitter-appended) ---
"""Pipeline reference for scband-discrete-conditional-entropy-model-66769561583990 (READ-ONLY COPY).

The authoritative reference and input builder live on the scoring server;
editing this copy changes nothing except your own understanding.
"""

import jax, jax.numpy as jnp
import numpy as np
import math

PARAM_DIM = 256
PARAM_NLEVEL = 1024

def setup_inputs(seed: int = 0) -> dict:
    key = jax.random.key(seed)
    k1, k2 = jax.random.split(key)
    # conditioning parameters to be vector-quantized: [batch, tokens, param_dim]
    params = jax.random.normal(k1, (16, 1024, PARAM_DIM), dtype=jnp.float32)
    # learned codebook, initialized N(0, 1/sqrt(param_dim)) as in the torch module
    param_table = jax.random.normal(k2, (PARAM_NLEVEL, PARAM_DIM), dtype=jnp.float32) / math.sqrt(PARAM_DIM)
    # learned logits over codewords, initialized to zeros
    logits = jnp.zeros((PARAM_NLEVEL,), dtype=jnp.float32)
    return {"params": params, "param_table": param_table, "logits": logits}

def reference(params, param_table, logits):
    # log_pmf(params) with discretized=True, prior_fn = Softmax (categorical over last dim)
    # _normalize_params: lower/upper bound to [-1, 1]
    p = jnp.clip(params, -1.0, 1.0)
    # _quantize_params: squared-euclidean nearest codeword search
    dist = jnp.sum(param_table ** 2, axis=-1) + jnp.sum(p ** 2, axis=-1)[..., None]
    dist = dist - 2.0 * jnp.einsum('abc,dc->abd', p, param_table)
    index = jnp.argmin(dist, axis=-1)  # [a, b]
    one_hot = jax.nn.one_hot(index, param_table.shape[0], dtype=p.dtype)  # [a, b, D]
    params_quantized = jnp.einsum('abd,dc->abc', one_hot, param_table)
    # straight-through estimator
    params_quantized_ste = jax.lax.stop_gradient(params_quantized - p) + p
    # prior = Softmax(params_quantized_ste); prior.log_pmf() = log_softmax over last dim
    log_pmf = jax.nn.log_softmax(params_quantized_ste, axis=-1)
    # codeword-usage bits from Softmax(self.logits).log_pmf()
    log_pmf_codebook = jax.nn.log_softmax(logits)
    param_bit = jnp.sum(one_hot * log_pmf_codebook) / (-math.log(2.0))
    return (log_pmf, params_quantized, param_bit)

if __name__ == "__main__":
    import jax
    _d = setup_inputs()
    print(jax.jit(kernel)(*tuple(_d.values())))

</pallas_src>

<mosaic_0001>
#map = affine_map<(d0, d1) -> (0, 0)>
#map1 = affine_map<(d0, d1) -> (0)>
module attributes {stable_mosaic.version = 14 : i64} {
  func.func @gather(%arg0: i32, %arg1: i32, %arg2: memref<1024x256xf32, #tpu.memory_space<hbm>>, %arg3: memref<1024x256xf32, #tpu.memory_space<hbm>>, %arg4: memref<16384xi32, #tpu.memory_space<hbm>>, %arg5: memref<16384x256xf32, #tpu.memory_space<hbm>>, %arg6: memref<16384x256xf32, #tpu.memory_space<hbm>>, %arg7: memref<128xi32, #tpu.memory_space<vmem>>, %arg8: memref<128x256xf32, #tpu.memory_space<vmem>>, %arg9: memref<128x256xf32, #tpu.memory_space<vmem>>, %arg10: memref<!tpu.dma_semaphore, #tpu.memory_space<semaphore_mem>>, %arg11: memref<!tpu.dma_semaphore, #tpu.memory_space<semaphore_mem>>) attributes {dimension_semantics = [#tpu.dimension_semantics<core_parallel>, #tpu.dimension_semantics<subcore_parallel>], iteration_bounds = array<i64: 2, 16>, scalar_prefetch = 0 : i64, scratch_operands = 5 : i64, tpu.core_type = #tpu.core_type<sc_vector_subcore>, window_params = [{transform_indices = #map}, {transform_indices = #map}, {transform_indices = #map1}, {transform_indices = #map}, {transform_indices = #map}]} {
    %mul3A = arith.constant 2 : i32
    %mul3A_0 = arith.muli %arg1, %mul3A : i32
    %add3A = arith.addi %mul3A_0, %arg0 : i32
    %mul3A_1 = arith.constant 512 : i32
    %mul3A_2 = arith.muli %add3A, %mul3A_1 : i32
    %add3A_3 = arith.constant 0 : i32
    %add3A_4 = arith.addi %mul3A_2, %add3A_3 : i32
    "tpu.region"() ({
      %run_scoped3A = tpu.sem_alloc : memref<!tpu.dma_semaphore, #tpu.memory_space<semaphore_mem>>
      %dma_start3A_57 = tpu.memref_slice %arg4[%add3A_4] : memref<16384xi32, #tpu.memory_space<hbm>> -> memref<128xi32, #tpu.memory_space<hbm>>
      %dma_start3A_58 = tpu.memref_slice %arg4[%add3A_4] : memref<16384xi32, #tpu.memory_space<hbm>> -> memref<128xi32, #tpu.memory_space<hbm>>
      tpu.enqueue_dma source(%dma_start3A_58 : memref<128xi32, #tpu.memory_space<hbm>>) target(%arg7 : memref<128xi32, #tpu.memory_space<vmem>>) target_semaphore(%run_scoped3A : memref<!tpu.dma_semaphore, #tpu.memory_space<semaphore_mem>>)
      %dma_wait3A_59 = tpu.memref_slice %arg4[%add3A_4] : memref<16384xi32, #tpu.memory_space<hbm>> -> memref<128xi32, #tpu.memory_space<hbm>>
      %dma_wait3A_60 = tpu.memref_slice %arg4[%add3A_4] : memref<16384xi32, #tpu.memory_space<hbm>> -> memref<128xi32, #tpu.memory_space<hbm>>
      tpu.wait_dma2 semaphore(%run_scoped3A : memref<!tpu.dma_semaphore, #tpu.memory_space<semaphore_mem>>) src(%dma_wait3A_60 : memref<128xi32, #tpu.memory_space<hbm>>) dst(%arg7 : memref<128xi32, #tpu.memory_space<vmem>>)
      tpu.yield
    }) : () -> ()
    %dma_start3A = arith.constant 0 : i32
    %dma_start3A_5 = arith.constant 0 : i32
    %dma_start3A_6 = tpu.memref_slice %arg2[%dma_start3A, %dma_start3A_5] : memref<1024x256xf32, #tpu.memory_space<hbm>> -> memref<1024x256xf32, #tpu.memory_space<hbm>>
    tpu.enqueue_indirect_dma source(%dma_start3A_6 : memref<1024x256xf32, #tpu.memory_space<hbm>>) target(%arg8 : memref<128x256xf32, #tpu.memory_space<vmem>>) offsets(%arg7 : memref<128xi32, #tpu.memory_space<vmem>>) semaphore(%arg10 : memref<!tpu.dma_semaphore, #tpu.memory_space<semaphore_mem>>)
    %dma_start3A_7 = arith.constant 0 : i32
    %dma_start3A_8 = arith.constant 0 : i32
    %dma_start3A_9 = tpu.memref_slice %arg3[%dma_start3A_7, %dma_start3A_8] : memref<1024x256xf32, #tpu.memory_space<hbm>> -> memref<1024x256xf32, #tpu.memory_space<hbm>>
    tpu.enqueue_indirect_dma source(%dma_start3A_9 : memref<1024x256xf32, #tpu.memory_space<hbm>>) target(%arg9 : memref<128x256xf32, #tpu.memory_space<vmem>>) offsets(%arg7 : memref<128xi32, #tpu.memory_space<vmem>>) semaphore(%arg11 : memref<!tpu.dma_semaphore, #tpu.memory_space<semaphore_mem>>)
    %dma_wait3A = arith.constant 0 : i32
    %dma_wait3A_10 = arith.constant 0 : i32
    %dma_wait3A_11 = tpu.memref_slice %arg2[%dma_wait3A, %dma_wait3A_10] : memref<1024x256xf32, #tpu.memory_space<hbm>> -> memref<1024x256xf32, #tpu.memory_space<hbm>>
    tpu.wait_indirect_dma semaphore(%arg10 : memref<!tpu.dma_semaphore, #tpu.memory_space<semaphore_mem>>) src(%dma_wait3A_11 : memref<1024x256xf32, #tpu.memory_space<hbm>>) dst(%arg8 : memref<128x256xf32, #tpu.memory_space<vmem>>)
    %dma_wait3A_12 = arith.constant 0 : i32
    %dma_wait3A_13 = arith.constant 0 : i32
    %dma_wait3A_14 = tpu.memref_slice %arg3[%dma_wait3A_12, %dma_wait3A_13] : memref<1024x256xf32, #tpu.memory_space<hbm>> -> memref<1024x256xf32, #tpu.memory_space<hbm>>
    tpu.wait_indirect_dma semaphore(%arg11 : memref<!tpu.dma_semaphore, #tpu.memory_space<semaphore_mem>>) src(%dma_wait3A_14 : memref<1024x256xf32, #tpu.memory_space<hbm>>) dst(%arg9 : memref<128x256xf32, #tpu.memory_space<vmem>>)
    "tpu.region"() ({
      %run_scoped3A = tpu.sem_alloc : memref<!tpu.dma_semaphore, #tpu.memory_space<semaphore_mem>>
      %dma_start3A_57 = arith.constant 0 : i32
      %dma_start3A_58 = tpu.memref_slice %arg5[%add3A_4, %dma_start3A_57] : memref<16384x256xf32, #tpu.memory_space<hbm>> -> memref<128x256xf32, #tpu.memory_space<hbm>>
      %dma_start3A_59 = arith.constant 0 : i32
      %dma_start3A_60 = tpu.memref_slice %arg5[%add3A_4, %dma_start3A_59] : memref<16384x256xf32, #tpu.memory_space<hbm>> -> memref<128x256xf32, #tpu.memory_space<hbm>>
      tpu.enqueue_dma source(%arg8 : memref<128x256xf32, #tpu.memory_space<vmem>>) target(%dma_start3A_60 : memref<128x256xf32, #tpu.memory_space<hbm>>) target_semaphore(%run_scoped3A : memref<!tpu.dma_semaphore, #tpu.memory_space<semaphore_mem>>)
      %dma_wait3A_61 = arith.constant 0 : i32
      %dma_wait3A_62 = tpu.memref_slice %arg5[%add3A_4, %dma_wait3A_61] : memref<16384x256xf32, #tpu.memory_space<hbm>> -> memref<128x256xf32, #tpu.memory_space<hbm>>
      %dma_wait3A_63 = arith.constant 0 : i32
      %dma_wait3A_64 = tpu.memref_slice %arg5[%add3A_4, %dma_wait3A_63] : memref<16384x256xf32, #tpu.memory_space<hbm>> -> memref<128x256xf32, #tpu.memory_space<hbm>>
      tpu.wait_dma2 semaphore(%run_scoped3A : memref<!tpu.dma_semaphore, #tpu.memory_space<semaphore_mem>>) src(%arg8 : memref<128x256xf32, #tpu.memory_space<vmem>>) dst(%dma_wait3A_64 : memref<128x256xf32, #tpu.memory_space<hbm>>)
      tpu.yield
    }) : () -> ()
    "tpu.region"() ({
      %run_scoped3A = tpu.sem_alloc : memref<!tpu.dma_semaphore, #tpu.memory_space<semaphore_mem>>
      %dma_start3A_57 = arith.constant 0 : i32
      %dma_start3A_58 = tpu.memref_slice %arg6[%add3A_4, %dma_start3A_57] : memref<16384x256xf32, #tpu.memory_space<hbm>> -> memref<128x256xf32, #tpu.memory_space<hbm>>
      %dma_start3A_59 = arith.constant 0 : i32
      %dma_start3A_60 = tpu.memref_slice %arg6[%add3A_4, %dma_start3A_59] : memref<16384x256xf32, #tpu.memory_space<hbm>> -> memref<128x256xf32, #tpu.memory_space<hbm>>
      tpu.enqueue_dma source(%arg9 : memref<128x256xf32, #tpu.memory_space<vmem>>) target(%dma_start3A_60 : memref<128x256xf32, #tpu.memory_space<hbm>>) target_semaphore(%run_scoped3A : memref<!tpu.dma_semaphore, #tpu.memory_space<semaphore_mem>>)
      %dma_wait3A_61 = arith.constant 0 : i32
      %dma_wait3A_62 = tpu.memref_slice %arg6[%add3A_4, %dma_wait3A_61] : memref<16384x256xf32, #tpu.memory_space<hbm>> -> memref<128x256xf32, #tpu.memory_space<hbm>>
      %dma_wait3A_63 = arith.constant 0 : i32
      %dma_wait3A_64 = tpu.memref_slice %arg6[%add3A_4, %dma_wait3A_63] : memref<16384x256xf32, #tpu.memory_space<hbm>> -> memref<128x256xf32, #tpu.memory_space<hbm>>
      tpu.wait_dma2 semaphore(%run_scoped3A : memref<!tpu.dma_semaphore, #tpu.memory_space<semaphore_mem>>) src(%arg9 : memref<128x256xf32, #tpu.memory_space<vmem>>) dst(%dma_wait3A_64 : memref<128x256xf32, #tpu.memory_space<hbm>>)
      tpu.yield
    }) : () -> ()
    %add3A_15 = arith.constant 128 : i32
    %add3A_16 = arith.addi %mul3A_2, %add3A_15 : i32
    "tpu.region"() ({
      %run_scoped3A = tpu.sem_alloc : memref<!tpu.dma_semaphore, #tpu.memory_space<semaphore_mem>>
      %dma_start3A_57 = tpu.memref_slice %arg4[%add3A_16] : memref<16384xi32, #tpu.memory_space<hbm>> -> memref<128xi32, #tpu.memory_space<hbm>>
      %dma_start3A_58 = tpu.memref_slice %arg4[%add3A_16] : memref<16384xi32, #tpu.memory_space<hbm>> -> memref<128xi32, #tpu.memory_space<hbm>>
      tpu.enqueue_dma source(%dma_start3A_58 : memref<128xi32, #tpu.memory_space<hbm>>) target(%arg7 : memref<128xi32, #tpu.memory_space<vmem>>) target_semaphore(%run_scoped3A : memref<!tpu.dma_semaphore, #tpu.memory_space<semaphore_mem>>)
      %dma_wait3A_59 = tpu.memref_slice %arg4[%add3A_16] : memref<16384xi32, #tpu.memory_space<hbm>> -> memref<128xi32, #tpu.memory_space<hbm>>
      %dma_wait3A_60 = tpu.memref_slice %arg4[%add3A_16] : memref<16384xi32, #tpu.memory_space<hbm>> -> memref<128xi32, #tpu.memory_space<hbm>>
      tpu.wait_dma2 semaphore(%run_scoped3A : memref<!tpu.dma_semaphore, #tpu.memory_space<semaphore_mem>>) src(%dma_wait3A_60 : memref<128xi32, #tpu.memory_space<hbm>>) dst(%arg7 : memref<128xi32, #tpu.memory_space<vmem>>)
      tpu.yield
    }) : () -> ()
    %dma_start3A_17 = arith.constant 0 : i32
    %dma_start3A_18 = arith.constant 0 : i32
    %dma_start3A_19 = tpu.memref_slice %arg2[%dma_start3A_17, %dma_start3A_18] : memref<1024x256xf32, #tpu.memory_space<hbm>> -> memref<1024x256xf32, #tpu.memory_space<hbm>>
    tpu.enqueue_indirect_dma source(%dma_start3A_19 : memref<1024x256xf32, #tpu.memory_space<hbm>>) target(%arg8 : memref<128x256xf32, #tpu.memory_space<vmem>>) offsets(%arg7 : memref<128xi32, #tpu.memory_space<vmem>>) semaphore(%arg10 : memref<!tpu.dma_semaphore, #tpu.memory_space<semaphore_mem>>)
    %dma_start3A_20 = arith.constant 0 : i32
    %dma_start3A_21 = arith.constant 0 : i32
    %dma_start3A_22 = tpu.memref_slice %arg3[%dma_start3A_20, %dma_start3A_21] : memref<1024x256xf32, #tpu.memory_space<hbm>> -> memref<1024x256xf32, #tpu.memory_space<hbm>>
    tpu.enqueue_indirect_dma source(%dma_start3A_22 : memref<1024x256xf32, #tpu.memory_space<hbm>>) target(%arg9 : memref<128x256xf32, #tpu.memory_space<vmem>>) offsets(%arg7 : memref<128xi32, #tpu.memory_space<vmem>>) semaphore(%arg11 : memref<!tpu.dma_semaphore, #tpu.memory_space<semaphore_mem>>)
    %dma_wait3A_23 = arith.constant 0 : i32
    %dma_wait3A_24 = arith.constant 0 : i32
    %dma_wait3A_25 = tpu.memref_slice %arg2[%dma_wait3A_23, %dma_wait3A_24] : memref<1024x256xf32, #tpu.memory_space<hbm>> -> memref<1024x256xf32, #tpu.memory_space<hbm>>
    tpu.wait_indirect_dma semaphore(%arg10 : memref<!tpu.dma_semaphore, #tpu.memory_space<semaphore_mem>>) src(%dma_wait3A_25 : memref<1024x256xf32, #tpu.memory_space<hbm>>) dst(%arg8 : memref<128x256xf32, #tpu.memory_space<vmem>>)
    %dma_wait3A_26 = arith.constant 0 : i32
    %dma_wait3A_27 = arith.constant 0 : i32
    %dma_wait3A_28 = tpu.memref_slice %arg3[%dma_wait3A_26, %dma_wait3A_27] : memref<1024x256xf32, #tpu.memory_space<hbm>> -> memref<1024x256xf32, #tpu.memory_space<hbm>>
    tpu.wait_indirect_dma semaphore(%arg11 : memref<!tpu.dma_semaphore, #tpu.memory_space<semaphore_mem>>) src(%dma_wait3A_28 : memref<1024x256xf32, #tpu.memory_space<hbm>>) dst(%arg9 : memref<128x256xf32, #tpu.memory_space<vmem>>)
    "tpu.region"() ({
      %run_scoped3A = tpu.sem_alloc : memref<!tpu.dma_semaphore, #tpu.memory_space<semaphore_mem>>
      %dma_start3A_57 = arith.constant 0 : i32
      %dma_start3A_58 = tpu.memref_slice %arg5[%add3A_16, %dma_start3A_57] : memref<16384x256xf32, #tpu.memory_space<hbm>> -> memref<128x256xf32, #tpu.memory_space<hbm>>
      %dma_start3A_59 = arith.constant 0 : i32
      %dma_start3A_60 = tpu.memref_slice %arg5[%add3A_16, %dma_start3A_59] : memref<16384x256xf32, #tpu.memory_space<hbm>> -> memref<128x256xf32, #tpu.memory_space<hbm>>
      tpu.enqueue_dma source(%arg8 : memref<128x256xf32, #tpu.memory_space<vmem>>) target(%dma_start3A_60 : memref<128x256xf32, #tpu.memory_space<hbm>>) target_semaphore(%run_scoped3A : memref<!tpu.dma_semaphore, #tpu.memory_space<semaphore_mem>>)
      %dma_wait3A_61 = arith.constant 0 : i32
      %dma_wait3A_62 = tpu.memref_slice %arg5[%add3A_16, %dma_wait3A_61] : memref<16384x256xf32, #tpu.memory_space<hbm>> -> memref<128x256xf32, #tpu.memory_space<hbm>>
      %dma_wait3A_63 = arith.constant 0 : i32
      %dma_wait3A_64 = tpu.memref_slice %arg5[%add3A_16, %dma_wait3A_63] : memref<16384x256xf32, #tpu.memory_space<hbm>> -> memref<128x256xf32, #tpu.memory_space<hbm>>
      tpu.wait_dma2 semaphore(%run_scoped3A : memref<!tpu.dma_semaphore, #tpu.memory_space<semaphore_mem>>) src(%arg8 : memref<128x256xf32, #tpu.memory_space<vmem>>) dst(%dma_wait3A_64 : memref<128x256xf32, #tpu.memory_space<hbm>>)
      tpu.yield
    }) : () -> ()
    "tpu.region"() ({
      %run_scoped3A = tpu.sem_alloc : memref<!tpu.dma_semaphore, #tpu.memory_space<semaphore_mem>>
      %dma_start3A_57 = arith.constant 0 : i32
      %dma_start3A_58 = tpu.memref_slice %arg6[%add3A_16, %dma_start3A_57] : memref<16384x256xf32, #tpu.memory_space<hbm>> -> memref<128x256xf32, #tpu.memory_space<hbm>>
      %dma_start3A_59 = arith.constant 0 : i32
      %dma_start3A_60 = tpu.memref_slice %arg6[%add3A_16, %dma_start3A_59] : memref<16384x256xf32, #tpu.memory_space<hbm>> -> memref<128x256xf32, #tpu.memory_space<hbm>>
      tpu.enqueue_dma source(%arg9 : memref<128x256xf32, #tpu.memory_space<vmem>>) target(%dma_start3A_60 : memref<128x256xf32, #tpu.memory_space<hbm>>) target_semaphore(%run_scoped3A : memref<!tpu.dma_semaphore, #tpu.memory_space<semaphore_mem>>)
      %dma_wait3A_61 = arith.constant 0 : i32
      %dma_wait3A_62 = tpu.memref_slice %arg6[%add3A_16, %dma_wait3A_61] : memref<16384x256xf32, #tpu.memory_space<hbm>> -> memref<128x256xf32, #tpu.memory_space<hbm>>
      %dma_wait3A_63 = arith.constant 0 : i32
      %dma_wait3A_64 = tpu.memref_slice %arg6[%add3A_16, %dma_wait3A_63] : memref<16384x256xf32, #tpu.memory_space<hbm>> -> memref<128x256xf32, #tpu.memory_space<hbm>>
      tpu.wait_dma2 semaphore(%run_scoped3A : memref<!tpu.dma_semaphore, #tpu.memory_space<semaphore_mem>>) src(%arg9 : memref<128x256xf32, #tpu.memory_space<vmem>>) dst(%dma_wait3A_64 : memref<128x256xf32, #tpu.memory_space<hbm>>)
      tpu.yield
    }) : () -> ()
    %add3A_29 = arith.constant 256 : i32
    %add3A_30 = arith.addi %mul3A_2, %add3A_29 : i32
    "tpu.region"() ({
      %run_scoped3A = tpu.sem_alloc : memref<!tpu.dma_semaphore, #tpu.memory_space<semaphore_mem>>
      %dma_start3A_57 = tpu.memref_slice %arg4[%add3A_30] : memref<16384xi32, #tpu.memory_space<hbm>> -> memref<128xi32, #tpu.memory_space<hbm>>
      %dma_start3A_58 = tpu.memref_slice %arg4[%add3A_30] : memref<16384xi32, #tpu.memory_space<hbm>> -> memref<128xi32, #tpu.memory_space<hbm>>
      tpu.enqueue_dma source(%dma_start3A_58 : memref<128xi32, #tpu.memory_space<hbm>>) target(%arg7 : memref<128xi32, #tpu.memory_space<vmem>>) target_semaphore(%run_scoped3A : memref<!tpu.dma_semaphore, #tpu.memory_space<semaphore_mem>>)
      %dma_wait3A_59 = tpu.memref_slice %arg4[%add3A_30] : memref<16384xi32, #tpu.memory_space<hbm>> -> memref<128xi32, #tpu.memory_space<hbm>>
      %dma_wait3A_60 = tpu.memref_slice %arg4[%add3A_30] : memref<16384xi32, #tpu.memory_space<hbm>> -> memref<128xi32, #tpu.memory_space<hbm>>
      tpu.wait_dma2 semaphore(%run_scoped3A : memref<!tpu.dma_semaphore, #tpu.memory_space<semaphore_mem>>) src(%dma_wait3A_60 : memref<128xi32, #tpu.memory_space<hbm>>) dst(%arg7 : memref<128xi32, #tpu.memory_space<vmem>>)
      tpu.yield
    }) : () -> ()
    %dma_start3A_31 = arith.constant 0 : i32
    %dma_start3A_32 = arith.constant 0 : i32
    %dma_start3A_33 = tpu.memref_slice %arg2[%dma_start3A_31, %dma_start3A_32] : memref<1024x256xf32, #tpu.memory_space<hbm>> -> memref<1024x256xf32, #tpu.memory_space<hbm>>
    tpu.enqueue_indirect_dma source(%dma_start3A_33 : memref<1024x256xf32, #tpu.memory_space<hbm>>) target(%arg8 : memref<128x256xf32, #tpu.memory_space<vmem>>) offsets(%arg7 : memref<128xi32, #tpu.memory_space<vmem>>) semaphore(%arg10 : memref<!tpu.dma_semaphore, #tpu.memory_space<semaphore_mem>>)
    %dma_start3A_34 = arith.constant 0 : i32
    %dma_start3A_35 = arith.constant 0 : i32
    %dma_start3A_36 = tpu.memref_slice %arg3[%dma_start3A_34, %dma_start3A_35] : memref<1024x256xf32, #tpu.memory_space<hbm>> -> memref<1024x256xf32, #tpu.memory_space<hbm>>
    tpu.enqueue_indirect_dma source(%dma_start3A_36 : memref<1024x256xf32, #tpu.memory_space<hbm>>) target(%arg9 : memref<128x256xf32, #tpu.memory_space<vmem>>) offsets(%arg7 : memref<128xi32, #tpu.memory_space<vmem>>) semaphore(%arg11 : memref<!tpu.dma_semaphore, #tpu.memory_space<semaphore_mem>>)
    %dma_wait3A_37 = arith.constant 0 : i32
    %dma_wait3A_38 = arith.constant 0 : i32
    %dma_wait3A_39 = tpu.memref_slice %arg2[%dma_wait3A_37, %dma_wait3A_38] : memref<1024x256xf32, #tpu.memory_space<hbm>> -> memref<1024x256xf32, #tpu.memory_space<hbm>>
    tpu.wait_indirect_dma semaphore(%arg10 : memref<!tpu.dma_semaphore, #tpu.memory_space<semaphore_mem>>) src(%dma_wait3A_39 : memref<1024x256xf32, #tpu.memory_space<hbm>>) dst(%arg8 : memref<128x256xf32, #tpu.memory_space<vmem>>)
    %dma_wait3A_40 = arith.constant 0 : i32
    %dma_wait3A_41 = arith.constant 0 : i32
    %dma_wait3A_42 = tpu.memref_slice %arg3[%dma_wait3A_40, %dma_wait3A_41] : memref<1024x256xf32, #tpu.memory_space<hbm>> -> memref<1024x256xf32, #tpu.memory_space<hbm>>
    tpu.wait_indirect_dma semaphore(%arg11 : memref<!tpu.dma_semaphore, #tpu.memory_space<semaphore_mem>>) src(%dma_wait3A_42 : memref<1024x256xf32, #tpu.memory_space<hbm>>) dst(%arg9 : memref<128x256xf32, #tpu.memory_space<vmem>>)
    "tpu.region"() ({
      %run_scoped3A = tpu.sem_alloc : memref<!tpu.dma_semaphore, #tpu.memory_space<semaphore_mem>>
      %dma_start3A_57 = arith.constant 0 : i32
      %dma_start3A_58 = tpu.memref_slice %arg5[%add3A_30, %dma_start3A_57] : memref<16384x256xf32, #tpu.memory_space<hbm>> -> memref<128x256xf32, #tpu.memory_space<hbm>>
      %dma_start3A_59 = arith.constant 0 : i32
      %dma_start3A_60 = tpu.memref_slice %arg5[%add3A_30, %dma_start3A_59] : memref<16384x256xf32, #tpu.memory_space<hbm>> -> memref<128x256xf32, #tpu.memory_space<hbm>>
      tpu.enqueue_dma source(%arg8 : memref<128x256xf32, #tpu.memory_space<vmem>>) target(%dma_start3A_60 : memref<128x256xf32, #tpu.memory_space<hbm>>) target_semaphore(%run_scoped3A : memref<!tpu.dma_semaphore, #tpu.memory_space<semaphore_mem>>)
      %dma_wait3A_61 = arith.constant 0 : i32
      %dma_wait3A_62 = tpu.memref_slice %arg5[%add3A_30, %dma_wait3A_61] : memref<16384x256xf32, #tpu.memory_space<hbm>> -> memref<128x256xf32, #tpu.memory_space<hbm>>
      %dma_wait3A_63 = arith.constant 0 : i32
      %dma_wait3A_64 = tpu.memref_slice %arg5[%add3A_30, %dma_wait3A_63] : memref<16384x256xf32, #tpu.memory_space<hbm>> -> memref<128x256xf32, #tpu.memory_space<hbm>>
      tpu.wait_dma2 semaphore(%run_scoped3A : memref<!tpu.dma_semaphore, #tpu.memory_space<semaphore_mem>>) src(%arg8 : memref<128x256xf32, #tpu.memory_space<vmem>>) dst(%dma_wait3A_64 : memref<128x256xf32, #tpu.memory_space<hbm>>)
      tpu.yield
    }) : () -> ()
    "tpu.region"() ({
      %run_scoped3A = tpu.sem_alloc : memref<!tpu.dma_semaphore, #tpu.memory_space<semaphore_mem>>
      %dma_start3A_57 = arith.constant 0 : i32
      %dma_start3A_58 = tpu.memref_slice %arg6[%add3A_30, %dma_start3A_57] : memref<16384x256xf32, #tpu.memory_space<hbm>> -> memref<128x256xf32, #tpu.memory_space<hbm>>
      %dma_start3A_59 = arith.constant 0 : i32
      %dma_start3A_60 = tpu.memref_slice %arg6[%add3A_30, %dma_start3A_59] : memref<16384x256xf32, #tpu.memory_space<hbm>> -> memref<128x256xf32, #tpu.memory_space<hbm>>
      tpu.enqueue_dma source(%arg9 : memref<128x256xf32, #tpu.memory_space<vmem>>) target(%dma_start3A_60 : memref<128x256xf32, #tpu.memory_space<hbm>>) target_semaphore(%run_scoped3A : memref<!tpu.dma_semaphore, #tpu.memory_space<semaphore_mem>>)
      %dma_wait3A_61 = arith.constant 0 : i32
      %dma_wait3A_62 = tpu.memref_slice %arg6[%add3A_30, %dma_wait3A_61] : memref<16384x256xf32, #tpu.memory_space<hbm>> -> memref<128x256xf32, #tpu.memory_space<hbm>>
      %dma_wait3A_63 = arith.constant 0 : i32
      %dma_wait3A_64 = tpu.memref_slice %arg6[%add3A_30, %dma_wait3A_63] : memref<16384x256xf32, #tpu.memory_space<hbm>> -> memref<128x256xf32, #tpu.memory_space<hbm>>
      tpu.wait_dma2 semaphore(%run_scoped3A : memref<!tpu.dma_semaphore, #tpu.memory_space<semaphore_mem>>) src(%arg9 : memref<128x256xf32, #tpu.memory_space<vmem>>) dst(%dma_wait3A_64 : memref<128x256xf32, #tpu.memory_space<hbm>>)
      tpu.yield
    }) : () -> ()
    %add3A_43 = arith.constant 384 : i32
    %add3A_44 = arith.addi %mul3A_2, %add3A_43 : i32
    "tpu.region"() ({
      %run_scoped3A = tpu.sem_alloc : memref<!tpu.dma_semaphore, #tpu.memory_space<semaphore_mem>>
      %dma_start3A_57 = tpu.memref_slice %arg4[%add3A_44] : memref<16384xi32, #tpu.memory_space<hbm>> -> memref<128xi32, #tpu.memory_space<hbm>>
      %dma_start3A_58 = tpu.memref_slice %arg4[%add3A_44] : memref<16384xi32, #tpu.memory_space<hbm>> -> memref<128xi32, #tpu.memory_space<hbm>>
      tpu.enqueue_dma source(%dma_start3A_58 : memref<128xi32, #tpu.memory_space<hbm>>) target(%arg7 : memref<128xi32, #tpu.memory_space<vmem>>) target_semaphore(%run_scoped3A : memref<!tpu.dma_semaphore, #tpu.memory_space<semaphore_mem>>)
      %dma_wait3A_59 = tpu.memref_slice %arg4[%add3A_44] : memref<16384xi32, #tpu.memory_space<hbm>> -> memref<128xi32, #tpu.memory_space<hbm>>
      %dma_wait3A_60 = tpu.memref_slice %arg4[%add3A_44] : memref<16384xi32, #tpu.memory_space<hbm>> -> memref<128xi32, #tpu.memory_space<hbm>>
      tpu.wait_dma2 semaphore(%run_scoped3A : memref<!tpu.dma_semaphore, #tpu.memory_space<semaphore_mem>>) src(%dma_wait3A_60 : memref<128xi32, #tpu.memory_space<hbm>>) dst(%arg7 : memref<128xi32, #tpu.memory_space<vmem>>)
      tpu.yield
    }) : () -> ()
    %dma_start3A_45 = arith.constant 0 : i32
    %dma_start3A_46 = arith.constant 0 : i32
    %dma_start3A_47 = tpu.memref_slice %arg2[%dma_start3A_45, %dma_start3A_46] : memref<1024x256xf32, #tpu.memory_space<hbm>> -> memref<1024x256xf32, #tpu.memory_space<hbm>>
    tpu.enqueue_indirect_dma source(%dma_start3A_47 : memref<1024x256xf32, #tpu.memory_space<hbm>>) target(%arg8 : memref<128x256xf32, #tpu.memory_space<vmem>>) offsets(%arg7 : memref<128xi32, #tpu.memory_space<vmem>>) semaphore(%arg10 : memref<!tpu.dma_semaphore, #tpu.memory_space<semaphore_mem>>)
    %dma_start3A_48 = arith.constant 0 : i32
    %dma_start3A_49 = arith.constant 0 : i32
    %dma_start3A_50 = tpu.memref_slice %arg3[%dma_start3A_48, %dma_start3A_49] : memref<1024x256xf32, #tpu.memory_space<hbm>> -> memref<1024x256xf32, #tpu.memory_space<hbm>>
    tpu.enqueue_indirect_dma source(%dma_start3A_50 : memref<1024x256xf32, #tpu.memory_space<hbm>>) target(%arg9 : memref<128x256xf32, #tpu.memory_space<vmem>>) offsets(%arg7 : memref<128xi32, #tpu.memory_space<vmem>>) semaphore(%arg11 : memref<!tpu.dma_semaphore, #tpu.memory_space<semaphore_mem>>)
    %dma_wait3A_51 = arith.constant 0 : i32
    %dma_wait3A_52 = arith.constant 0 : i32
    %dma_wait3A_53 = tpu.memref_slice %arg2[%dma_wait3A_51, %dma_wait3A_52] : memref<1024x256xf32, #tpu.memory_space<hbm>> -> memref<1024x256xf32, #tpu.memory_space<hbm>>
    tpu.wait_indirect_dma semaphore(%arg10 : memref<!tpu.dma_semaphore, #tpu.memory_space<semaphore_mem>>) src(%dma_wait3A_53 : memref<1024x256xf32, #tpu.memory_space<hbm>>) dst(%arg8 : memref<128x256xf32, #tpu.memory_space<vmem>>)
    %dma_wait3A_54 = arith.constant 0 : i32
    %dma_wait3A_55 = arith.constant 0 : i32
    %dma_wait3A_56 = tpu.memref_slice %arg3[%dma_wait3A_54, %dma_wait3A_55] : memref<1024x256xf32, #tpu.memory_space<hbm>> -> memref<1024x256xf32, #tpu.memory_space<hbm>>
    tpu.wait_indirect_dma semaphore(%arg11 : memref<!tpu.dma_semaphore, #tpu.memory_space<semaphore_mem>>) src(%dma_wait3A_56 : memref<1024x256xf32, #tpu.memory_space<hbm>>) dst(%arg9 : memref<128x256xf32, #tpu.memory_space<vmem>>)
    "tpu.region"() ({
      %run_scoped3A = tpu.sem_alloc : memref<!tpu.dma_semaphore, #tpu.memory_space<semaphore_mem>>
      %dma_start3A_57 = arith.constant 0 : i32
      %dma_start3A_58 = tpu.memref_slice %arg5[%add3A_44, %dma_start3A_57] : memref<16384x256xf32, #tpu.memory_space<hbm>> -> memref<128x256xf32, #tpu.memory_space<hbm>>
      %dma_start3A_59 = arith.constant 0 : i32
      %dma_start3A_60 = tpu.memref_slice %arg5[%add3A_44, %dma_start3A_59] : memref<16384x256xf32, #tpu.memory_space<hbm>> -> memref<128x256xf32, #tpu.memory_space<hbm>>
      tpu.enqueue_dma source(%arg8 : memref<128x256xf32, #tpu.memory_space<vmem>>) target(%dma_start3A_60 : memref<128x256xf32, #tpu.memory_space<hbm>>) target_semaphore(%run_scoped3A : memref<!tpu.dma_semaphore, #tpu.memory_space<semaphore_mem>>)
      %dma_wait3A_61 = arith.constant 0 : i32
      %dma_wait3A_62 = tpu.memref_slice %arg5[%add3A_44, %dma_wait3A_61] : memref<16384x256xf32, #tpu.memory_space<hbm>> -> memref<128x256xf32, #tpu.memory_space<hbm>>
      %dma_wait3A_63 = arith.constant 0 : i32
      %dma_wait3A_64 = tpu.memref_slice %arg5[%add3A_44, %dma_wait3A_63] : memref<16384x256xf32, #tpu.memory_space<hbm>> -> memref<128x256xf32, #tpu.memory_space<hbm>>
      tpu.wait_dma2 semaphore(%run_scoped3A : memref<!tpu.dma_semaphore, #tpu.memory_space<semaphore_mem>>) src(%arg8 : memref<128x256xf32, #tpu.memory_space<vmem>>) dst(%dma_wait3A_64 : memref<128x256xf32, #tpu.memory_space<hbm>>)
      tpu.yield
    }) : () -> ()
    "tpu.region"() ({
      %run_scoped3A = tpu.sem_alloc : memref<!tpu.dma_semaphore, #tpu.memory_space<semaphore_mem>>
      %dma_start3A_57 = arith.constant 0 : i32
      %dma_start3A_58 = tpu.memref_slice %arg6[%add3A_44, %dma_start3A_57] : memref<16384x256xf32, #tpu.memory_space<hbm>> -> memref<128x256xf32, #tpu.memory_space<hbm>>
      %dma_start3A_59 = arith.constant 0 : i32
      %dma_start3A_60 = tpu.memref_slice %arg6[%add3A_44, %dma_start3A_59] : memref<16384x256xf32, #tpu.memory_space<hbm>> -> memref<128x256xf32, #tpu.memory_space<hbm>>
      tpu.enqueue_dma source(%arg9 : memref<128x256xf32, #tpu.memory_space<vmem>>) target(%dma_start3A_60 : memref<128x256xf32, #tpu.memory_space<hbm>>) target_semaphore(%run_scoped3A : memref<!tpu.dma_semaphore, #tpu.memory_space<semaphore_mem>>)
      %dma_wait3A_61 = arith.constant 0 : i32
      %dma_wait3A_62 = tpu.memref_slice %arg6[%add3A_44, %dma_wait3A_61] : memref<16384x256xf32, #tpu.memory_space<hbm>> -> memref<128x256xf32, #tpu.memory_space<hbm>>
      %dma_wait3A_63 = arith.constant 0 : i32
      %dma_wait3A_64 = tpu.memref_slice %arg6[%add3A_44, %dma_wait3A_63] : memref<16384x256xf32, #tpu.memory_space<hbm>> -> memref<128x256xf32, #tpu.memory_space<hbm>>
      tpu.wait_dma2 semaphore(%run_scoped3A : memref<!tpu.dma_semaphore, #tpu.memory_space<semaphore_mem>>) src(%arg9 : memref<128x256xf32, #tpu.memory_space<vmem>>) dst(%dma_wait3A_64 : memref<128x256xf32, #tpu.memory_space<hbm>>)
      tpu.yield
    }) : () -> ()
    return
  }
}

module attributes {stable_mosaic.version = 14 : i64} {
  func.func @_prep_body(%arg0: memref<1024x256xf32, #tpu.memory_space<vmem>>, %arg1: memref<1x1024xf32, #tpu.memory_space<vmem>>, %arg2: memref<1024x256xf32, #tpu.memory_space<vmem>>, %arg3: memref<1024x256xf32, #tpu.memory_space<vmem>>, %arg4: memref<1x1024xf32, #tpu.memory_space<vmem>>) attributes {dimension_semantics = [], scalar_prefetch = 0 : i64, scratch_operands = 0 : i64, tpu.core_type = #tpu.core_type<tc>} {
    %get3A = arith.constant 0 : index
    %get3A_0 = arith.constant 0 : index
    %get3A_1 = vector.load %arg0[%get3A, %get3A_0] : memref<1024x256xf32, #tpu.memory_space<vmem>>, vector<1024x256xf32>
    %add3A = arith.addf %get3A_1, %get3A_1 : vector<1024x256xf32>
    %swap3A = arith.constant 0 : index
    %swap3A_2 = arith.constant 0 : index
    %swap3A_3 = vector.load %arg2[%swap3A, %swap3A_2] : memref<1024x256xf32, #tpu.memory_space<vmem>>, vector<1024x256xf32>
    tpu.vector_store %arg2[%swap3A, %swap3A_2], %add3A {strides = array<i32>} : memref<1024x256xf32, #tpu.memory_space<vmem>>, vector<1024x256xf32>,
    %reduce_max3A = arith.constant dense<0xFF800000> : vector<1024xf32>
    %reduce_max3A_4 = vector.multi_reduction <maximumf>, %get3A_1, %reduce_max3A [1] : vector<1024x256xf32> to vector<1024xf32>
    %broadcast_in_dim3A = vector.shape_cast %reduce_max3A_4 : vector<1024xf32> to vector<1024x1xf32>
    %sub3A = vector.broadcast %broadcast_in_dim3A : vector<1024x1xf32> to vector<1024x256xf32>
    %sub3A_5 = arith.subf %get3A_1, %sub3A : vector<1024x256xf32>
    %exp3A = math.exp %sub3A_5 : vector<1024x256xf32>
    %reduce_sum3A = arith.constant dense<0.000000e+00> : vector<1024xf32>
    %reduce_sum3A_6 = vector.multi_reduction <add>, %exp3A, %reduce_sum3A [1] : vector<1024x256xf32> to vector<1024xf32>
    %broadcast_in_dim3A_7 = vector.shape_cast %reduce_sum3A_6 : vector<1024xf32> to vector<1024x1xf32>
    %log3A = math.log %broadcast_in_dim3A_7 : vector<1024x1xf32>
    %add3A_8 = arith.addf %log3A, %broadcast_in_dim3A : vector<1024x1xf32>
    %sub3A_9 = vector.broadcast %add3A_8 : vector<1024x1xf32> to vector<1024x256xf32>
    %sub3A_10 = arith.subf %get3A_1, %sub3A_9 : vector<1024x256xf32>
    %swap3A_11 = arith.constant 0 : index
    %swap3A_12 = arith.constant 0 : index
    %swap3A_13 = vector.load %arg3[%swap3A_11, %swap3A_12] : memref<1024x256xf32, #tpu.memory_space<vmem>>, vector<1024x256xf32>
    tpu.vector_store %arg3[%swap3A_11, %swap3A_12], %sub3A_10 {strides = array<i32>} : memref<1024x256xf32, #tpu.memory_space<vmem>>, vector<1024x256xf32>,
    %get3A_14 = arith.constant 0 : index
    %get3A_15 = arith.constant 0 : index
    %get3A_16 = vector.load %arg1[%get3A_14, %get3A_15] : memref<1x1024xf32, #tpu.memory_space<vmem>>, vector<1x1024xf32>
    %reduce_max3A_17 = vector.shape_cast %get3A_16 : vector<1x1024xf32> to vector<1x1x1024xf32>
    %reduce_max3A_18 = arith.constant dense<0xFF800000> : vector<1xf32>
    %reduce_max3A_19 = vector.multi_reduction <maximumf>, %reduce_max3A_17, %reduce_max3A_18 [1, 2] : vector<1x1x1024xf32> to vector<1xf32>
    %reduce_max3A_20 = vector.shape_cast %reduce_max3A_19 : vector<1xf32> to vector<1x1x1xf32>
    %reduce_max3A_21 = vector.extract %reduce_max3A_20[0, 0, 0] : f32 from vector<1x1x1xf32>
    %sub3A_22 = vector.broadcast %reduce_max3A_21 : f32 to vector<1x1024xf32>
    %sub3A_23 = arith.subf %get3A_16, %sub3A_22 : vector<1x1024xf32>
    %exp3A_24 = math.exp %sub3A_23 : vector<1x1024xf32>
    %reduce_sum3A_25 = vector.shape_cast %exp3A_24 : vector<1x1024xf32> to vector<1x1x1024xf32>
    %reduce_sum3A_26 = arith.constant dense<0.000000e+00> : vector<1xf32>
    %reduce_sum3A_27 = vector.multi_reduction <add>, %reduce_sum3A_25, %reduce_sum3A_26 [1, 2] : vector<1x1x1024xf32> to vector<1xf32>
    %reduce_sum3A_28 = vector.shape_cast %reduce_sum3A_27 : vector<1xf32> to vector<1x1x1xf32>
    %reduce_sum3A_29 = vector.extract %reduce_sum3A_28[0, 0, 0] : f32 from vector<1x1x1xf32>
    %log3A_30 = math.log %reduce_sum3A_29 : f32
    %add3A_31 = arith.addf %log3A_30, %reduce_max3A_21 : f32
    %sub3A_32 = vector.broadcast %add3A_31 : f32 to vector<1x1024xf32>
    %sub3A_33 = arith.subf %get3A_16, %sub3A_32 : vector<1x1024xf32>
    %mul3A = arith.constant -1.44269502 : f32
    %mul3A_34 = vector.broadcast %mul3A : f32 to vector<1x1024xf32>
    %mul3A_35 = arith.mulf %sub3A_33, %mul3A_34 : vector<1x1024xf32>
    %swap3A_36 = arith.constant 0 : index
    %swap3A_37 = arith.constant 0 : index
    %swap3A_38 = vector.load %arg4[%swap3A_36, %swap3A_37] : memref<1x1024xf32, #tpu.memory_space<vmem>>, vector<1x1024xf32>
    tpu.vector_store %arg4[%swap3A_36, %swap3A_37], %mul3A_35 {strides = array<i32>} : memref<1x1024xf32, #tpu.memory_space<vmem>>, vector<1x1024xf32>,
    return
  }
}

module attributes {stable_mosaic.version = 14 : i64} {
  func.func @_vq_body(%arg0: i32, %arg1: memref<1024x256xf32, #tpu.memory_space<vmem>>, %arg2: memref<1x1x1024xf32, #tpu.memory_space<vmem>>, %arg3: memref<1x1024xf32, #tpu.memory_space<vmem>>, %arg4: memref<1024x256xf32, #tpu.memory_space<any>>, %arg5: memref<1x1024xf32, #tpu.memory_space<any>>, %arg6: memref<1x1x1024xi32, #tpu.memory_space<vmem>>, %arg7: memref<1x1xf32, #tpu.memory_space<smem>>, %arg8: memref<1024x256xf32, #tpu.memory_space<vmem>>, %arg9: memref<1x1024xf32, #tpu.memory_space<vmem>>, %arg10: memref<1x1024xf32, #tpu.memory_space<vmem>>, %arg11: memref<!tpu.dma_semaphore, #tpu.memory_space<semaphore_mem>>) attributes {dimension_semantics = [#tpu.dimension_semantics<arbitrary>], iteration_bounds = array<i64: 16>, scalar_prefetch = 0 : i64, scratch_operands = 4 : i64, tpu.core_type = #tpu.core_type<tc>, window_params = [{transform_indices = @transform_0, window_bounds = array<i64: 1024, 256>}, {transform_indices = @transform_1, window_bounds = array<i64: 1, 1, 1024>}, {pipeline_mode = #tpu.pipeline_mode<synchronous>, transform_indices = @transform_2, window_bounds = array<i64: 1, 1024>}, {}, {}, {transform_indices = @transform_5, window_bounds = array<i64: 1, 1, 1024>}, {transform_indices = @transform_6, window_bounds = array<i64: 1, 1>}]} {
    %eq3A = arith.constant 0 : i32
    %eq3A_0 = arith.cmpi eq, %arg0, %eq3A : i32
    %convert_element_type3A = arith.extui %eq3A_0 : i1 to i32
    %cond3A = arith.constant 0 : i32
    %cond3A_1 = arith.cmpi ne, %convert_element_type3A, %cond3A : i32
    scf.if %cond3A_1 {
      tpu.enqueue_dma source(%arg4 : memref<1024x256xf32, #tpu.memory_space<any>>) target(%arg8 : memref<1024x256xf32, #tpu.memory_space<vmem>>) target_semaphore(%arg11 : memref<!tpu.dma_semaphore, #tpu.memory_space<semaphore_mem>>)
      tpu.enqueue_dma source(%arg5 : memref<1x1024xf32, #tpu.memory_space<any>>) target(%arg9 : memref<1x1024xf32, #tpu.memory_space<vmem>>) target_semaphore(%arg11 : memref<!tpu.dma_semaphore, #tpu.memory_space<semaphore_mem>>)
      tpu.wait_dma2 semaphore(%arg11 : memref<!tpu.dma_semaphore, #tpu.memory_space<semaphore_mem>>) src(%arg4 : memref<1024x256xf32, #tpu.memory_space<any>>) dst(%arg8 : memref<1024x256xf32, #tpu.memory_space<vmem>>)
      tpu.wait_dma2 semaphore(%arg11 : memref<!tpu.dma_semaphore, #tpu.memory_space<semaphore_mem>>) src(%arg5 : memref<1x1024xf32, #tpu.memory_space<any>>) dst(%arg9 : memref<1x1024xf32, #tpu.memory_space<vmem>>)
      %broadcast_in_dim3A_169 = arith.constant 0.000000e+00 : f32
      %broadcast_in_dim3A_170 = vector.broadcast %broadcast_in_dim3A_169 : f32 to vector<1x1024xf32>
      %swap3A_171 = arith.constant 0 : index
      %swap3A_172 = arith.constant 0 : index
      %swap3A_173 = vector.load %arg10[%swap3A_171, %swap3A_172] : memref<1x1024xf32, #tpu.memory_space<vmem>>, vector<1x1024xf32>
      tpu.vector_store %arg10[%swap3A_171, %swap3A_172], %broadcast_in_dim3A_170 {strides = array<i32>} : memref<1x1024xf32, #tpu.memory_space<vmem>>, vector<1x1024xf32>,
    } else {
    }
    %get3A = arith.constant 0 : index
    %get3A_2 = arith.constant 0 : index
    %get3A_3 = vector.load %arg3[%get3A, %get3A_2] : memref<1x1024xf32, #tpu.memory_space<vmem>>, vector<1x1024xf32>
    %get3A_4 = arith.constant 0 : index
    %get3A_5 = arith.constant 0 : index
    %get3A_6 = arith.constant 0 : index
    %get3A_7 = vector.load %arg2[%get3A_4, %get3A_5, %get3A_6] : memref<1x1x1024xf32, #tpu.memory_space<vmem>>, vector<1x1x1024xf32>
    %reshape3A = vector.shape_cast %get3A_7 : vector<1x1x1024xf32> to vector<1x1024xf32>
    %transpose3A = tpu.transpose %reshape3A, [1, 0] : vector<1x1024xf32> -> vector<1024x1xf32>
    %get3A_8 = arith.constant 0 : index
    %get3A_9 = arith.constant 0 : index
    %get3A_10 = vector.load %arg1[%get3A_8, %get3A_9] : memref<1024x256xf32, #tpu.memory_space<vmem>>, vector<256x256xf32>
    %jit3A = arith.constant -1.000000e+00 : f32
    %jit3A_11 = arith.constant 1.000000e+00 : f32
    %max3A = vector.broadcast %jit3A : f32 to vector<256x256xf32>
    %max3A_12 = arith.maximumf %max3A, %get3A_10 : vector<256x256xf32>
    %min3A = vector.broadcast %jit3A_11 : f32 to vector<256x256xf32>
    %min3A_13 = arith.minimumf %min3A, %max3A_12 : vector<256x256xf32>
    %slice3A = vector.extract_strided_slice %transpose3A {offsets = [0, 0], sizes = [256, 1], strides = [1, 1]} : vector<1024x1xf32> to vector<256x1xf32>
    %get3A_14 = arith.constant 0 : index
    %get3A_15 = arith.constant 0 : index
    %get3A_16 = vector.load %arg8[%get3A_14, %get3A_15] : memref<1024x256xf32, #tpu.memory_space<vmem>>, vector<1024x256xf32>
    %dot_general3A = arith.constant dense<0.000000e+00> : vector<256x1024xf32>
    %dot_general3A_17 = tpu.matmul %min3A_13, %get3A_16, %dot_general3A {dimension_numbers = #tpu.dot_dimension_numbers<[1], [1], [0], [0], [0, 0, 1, 0], [], []>, transpose_lhs_hint = false} : vector<256x256xf32>, vector<1024x256xf32>, vector<256x1024xf32> -> vector<256x1024xf32>
    %add3A = vector.broadcast %get3A_3 : vector<1x1024xf32> to vector<256x1024xf32>
    %add3A_18 = vector.broadcast %slice3A : vector<256x1xf32> to vector<256x1024xf32>
    %add3A_19 = arith.addf %add3A, %add3A_18 : vector<256x1024xf32>
    %sub3A = arith.subf %add3A_19, %dot_general3A_17 : vector<256x1024xf32>
    %argmin3A = tpu.reduce_index %sub3A {axis = 1 : i32, kind = #tpu.reduction_kind<arg_min>} : vector<256x1024xf32> -> vector<256xi32>
    %iota3A = tpu.iota {dimensions = array<i32: 1>} : vector<256x1024xi32>
    %broadcast_in_dim3A = vector.shape_cast %argmin3A : vector<256xi32> to vector<256x1xi32>
    %eq3A_20 = vector.broadcast %broadcast_in_dim3A : vector<256x1xi32> to vector<256x1024xi32>
    %eq3A_21 = arith.cmpi eq, %iota3A, %eq3A_20 : vector<256x1024xi32>
    %convert_element_type3A_22 = arith.extui %eq3A_21 : vector<256x1024xi1> to vector<256x1024xi32>
    %convert_element_type3A_23 = arith.sitofp %convert_element_type3A_22 : vector<256x1024xi32> to vector<256x1024xf32>
    %get3A_24 = arith.constant 0 : index
    %get3A_25 = arith.constant 0 : index
    %get3A_26 = vector.load %arg10[%get3A_24, %get3A_25] : memref<1x1024xf32, #tpu.memory_space<vmem>>, vector<1x1024xf32>
    %reduce_sum3A = arith.constant dense<0.000000e+00> : vector<1024xf32>
    %reduce_sum3A_27 = vector.multi_reduction <add>, %convert_element_type3A_23, %reduce_sum3A [0] : vector<256x1024xf32> to vector<1024xf32>
    %broadcast_in_dim3A_28 = vector.shape_cast %reduce_sum3A_27 : vector<1024xf32> to vector<1x1024xf32>
    %add3A_29 = arith.addf %get3A_26, %broadcast_in_dim3A_28 : vector<1x1024xf32>
    %swap3A = arith.constant 0 : index
    %swap3A_30 = arith.constant 0 : index
    %swap3A_31 = vector.load %arg10[%swap3A, %swap3A_30] : memref<1x1024xf32, #tpu.memory_space<vmem>>, vector<1x1024xf32>
    tpu.vector_store %arg10[%swap3A, %swap3A_30], %add3A_29 {strides = array<i32>} : memref<1x1024xf32, #tpu.memory_space<vmem>>, vector<1x1024xf32>,
    %swap3A_32 = arith.constant 0 : index
    %swap3A_33 = arith.constant 0 : index
    %swap3A_34 = arith.constant 0 : index
    %swap3A_35 = vector.load %arg6[%swap3A_32, %swap3A_33, %swap3A_34] : memref<1x1x1024xi32, #tpu.memory_space<vmem>>, vector<1x1x256xi32>
    %swap3A_36 = vector.shape_cast %swap3A_35 : vector<1x1x256xi32> to vector<256xi32>
    %swap3A_37 = vector.shape_cast %argmin3A : vector<256xi32> to vector<1x1x256xi32>
    tpu.vector_store %arg6[%swap3A_32, %swap3A_33, %swap3A_34], %swap3A_37 {strides = array<i32>} : memref<1x1x1024xi32, #tpu.memory_space<vmem>>, vector<1x1x256xi32>,
    %get3A_38 = arith.constant 256 : index
    %get3A_39 = arith.constant 0 : index
    %get3A_40 = vector.load %arg1[%get3A_38, %get3A_39] : memref<1024x256xf32, #tpu.memory_space<vmem>>, vector<256x256xf32>
    %jit3A_41 = arith.constant -1.000000e+00 : f32
    %jit3A_42 = arith.constant 1.000000e+00 : f32
    %max3A_43 = vector.broadcast %jit3A_41 : f32 to vector<256x256xf32>
    %max3A_44 = arith.maximumf %max3A_43, %get3A_40 : vector<256x256xf32>
    %min3A_45 = vector.broadcast %jit3A_42 : f32 to vector<256x256xf32>
    %min3A_46 = arith.minimumf %min3A_45, %max3A_44 : vector<256x256xf32>
    %slice3A_47 = vector.extract_strided_slice %transpose3A {offsets = [256, 0], sizes = [256, 1], strides = [1, 1]} : vector<1024x1xf32> to vector<256x1xf32>
    %get3A_48 = arith.constant 0 : index
    %get3A_49 = arith.constant 0 : index
    %get3A_50 = vector.load %arg8[%get3A_48, %get3A_49] : memref<1024x256xf32, #tpu.memory_space<vmem>>, vector<1024x256xf32>
    %dot_general3A_51 = arith.constant dense<0.000000e+00> : vector<256x1024xf32>
    %dot_general3A_52 = tpu.matmul %min3A_46, %get3A_50, %dot_general3A_51 {dimension_numbers = #tpu.dot_dimension_numbers<[1], [1], [0], [0], [0, 0, 1, 0], [], []>, transpose_lhs_hint = false} : vector<256x256xf32>, vector<1024x256xf32>, vector<256x1024xf32> -> vector<256x1024xf32>
    %add3A_53 = vector.broadcast %get3A_3 : vector<1x1024xf32> to vector<256x1024xf32>
    %add3A_54 = vector.broadcast %slice3A_47 : vector<256x1xf32> to vector<256x1024xf32>
    %add3A_55 = arith.addf %add3A_53, %add3A_54 : vector<256x1024xf32>
    %sub3A_56 = arith.subf %add3A_55, %dot_general3A_52 : vector<256x1024xf32>
    %argmin3A_57 = tpu.reduce_index %sub3A_56 {axis = 1 : i32, kind = #tpu.reduction_kind<arg_min>} : vector<256x1024xf32> -> vector<256xi32>
    %iota3A_58 = tpu.iota {dimensions = array<i32: 1>} : vector<256x1024xi32>
    %broadcast_in_dim3A_59 = vector.shape_cast %argmin3A_57 : vector<256xi32> to vector<256x1xi32>
    %eq3A_60 = vector.broadcast %broadcast_in_dim3A_59 : vector<256x1xi32> to vector<256x1024xi32>
    %eq3A_61 = arith.cmpi eq, %iota3A_58, %eq3A_60 : vector<256x1024xi32>
    %convert_element_type3A_62 = arith.extui %eq3A_61 : vector<256x1024xi1> to vector<256x1024xi32>
    %convert_element_type3A_63 = arith.sitofp %convert_element_type3A_62 : vector<256x1024xi32> to vector<256x1024xf32>
    %get3A_64 = arith.constant 0 : index
    %get3A_65 = arith.constant 0 : index
    %get3A_66 = vector.load %arg10[%get3A_64, %get3A_65] : memref<1x1024xf32, #tpu.memory_space<vmem>>, vector<1x1024xf32>
    %reduce_sum3A_67 = arith.constant dense<0.000000e+00> : vector<1024xf32>
    %reduce_sum3A_68 = vector.multi_reduction <add>, %convert_element_type3A_63, %reduce_sum3A_67 [0] : vector<256x1024xf32> to vector<1024xf32>
    %broadcast_in_dim3A_69 = vector.shape_cast %reduce_sum3A_68 : vector<1024xf32> to vector<1x1024xf32>
    %add3A_70 = arith.addf %get3A_66, %broadcast_in_dim3A_69 : vector<1x1024xf32>
    %swap3A_71 = arith.constant 0 : index
    %swap3A_72 = arith.constant 0 : index
    %swap3A_73 = vector.load %arg10[%swap3A_71, %swap3A_72] : memref<1x1024xf32, #tpu.memory_space<vmem>>, vector<1x1024xf32>
    tpu.vector_store %arg10[%swap3A_71, %swap3A_72], %add3A_70 {strides = array<i32>} : memref<1x1024xf32, #tpu.memory_space<vmem>>, vector<1x1024xf32>,
    %swap3A_74 = arith.constant 0 : index
    %swap3A_75 = arith.constant 0 : index
    %swap3A_76 = arith.constant 256 : index
    %swap3A_77 = vector.load %arg6[%swap3A_74, %swap3A_75, %swap3A_76] : memref<1x1x1024xi32, #tpu.memory_space<vmem>>, vector<1x1x256xi32>
    %swap3A_78 = vector.shape_cast %swap3A_77 : vector<1x1x256xi32> to vector<256xi32>
    %swap3A_79 = vector.shape_cast %argmin3A_57 : vector<256xi32> to vector<1x1x256xi32>
    tpu.vector_store %arg6[%swap3A_74, %swap3A_75, %swap3A_76], %swap3A_79 {strides = array<i32>} : memref<1x1x1024xi32, #tpu.memory_space<vmem>>, vector<1x1x256xi32>,
    %get3A_80 = arith.constant 512 : index
    %get3A_81 = arith.constant 0 : index
    %get3A_82 = vector.load %arg1[%get3A_80, %get3A_81] : memref<1024x256xf32, #tpu.memory_space<vmem>>, vector<256x256xf32>
    %jit3A_83 = arith.constant -1.000000e+00 : f32
    %jit3A_84 = arith.constant 1.000000e+00 : f32
    %max3A_85 = vector.broadcast %jit3A_83 : f32 to vector<256x256xf32>
    %max3A_86 = arith.maximumf %max3A_85, %get3A_82 : vector<256x256xf32>
    %min3A_87 = vector.broadcast %jit3A_84 : f32 to vector<256x256xf32>
    %min3A_88 = arith.minimumf %min3A_87, %max3A_86 : vector<256x256xf32>
    %slice3A_89 = vector.extract_strided_slice %transpose3A {offsets = [512, 0], sizes = [256, 1], strides = [1, 1]} : vector<1024x1xf32> to vector<256x1xf32>
    %get3A_90 = arith.constant 0 : index
    %get3A_91 = arith.constant 0 : index
    %get3A_92 = vector.load %arg8[%get3A_90, %get3A_91] : memref<1024x256xf32, #tpu.memory_space<vmem>>, vector<1024x256xf32>
    %dot_general3A_93 = arith.constant dense<0.000000e+00> : vector<256x1024xf32>
    %dot_general3A_94 = tpu.matmul %min3A_88, %get3A_92, %dot_general3A_93 {dimension_numbers = #tpu.dot_dimension_numbers<[1], [1], [0], [0], [0, 0, 1, 0], [], []>, transpose_lhs_hint = false} : vector<256x256xf32>, vector<1024x256xf32>, vector<256x1024xf32> -> vector<256x1024xf32>
    %add3A_95 = vector.broadcast %get3A_3 : vector<1x1024xf32> to vector<256x1024xf32>
    %add3A_96 = vector.broadcast %slice3A_89 : vector<256x1xf32> to vector<256x1024xf32>
    %add3A_97 = arith.addf %add3A_95, %add3A_96 : vector<256x1024xf32>
    %sub3A_98 = arith.subf %add3A_97, %dot_general3A_94 : vector<256x1024xf32>
    %argmin3A_99 = tpu.reduce_index %sub3A_98 {axis = 1 : i32, kind = #tpu.reduction_kind<arg_min>} : vector<256x1024xf32> -> vector<256xi32>
    %iota3A_100 = tpu.iota {dimensions = array<i32: 1>} : vector<256x1024xi32>
    %broadcast_in_dim3A_101 = vector.shape_cast %argmin3A_99 : vector<256xi32> to vector<256x1xi32>
    %eq3A_102 = vector.broadcast %broadcast_in_dim3A_101 : vector<256x1xi32> to vector<256x1024xi32>
    %eq3A_103 = arith.cmpi eq, %iota3A_100, %eq3A_102 : vector<256x1024xi32>
    %convert_element_type3A_104 = arith.extui %eq3A_103 : vector<256x1024xi1> to vector<256x1024xi32>
    %convert_element_type3A_105 = arith.sitofp %convert_element_type3A_104 : vector<256x1024xi32> to vector<256x1024xf32>
    %get3A_106 = arith.constant 0 : index
    %get3A_107 = arith.constant 0 : index
    %get3A_108 = vector.load %arg10[%get3A_106, %get3A_107] : memref<1x1024xf32, #tpu.memory_space<vmem>>, vector<1x1024xf32>
    %reduce_sum3A_109 = arith.constant dense<0.000000e+00> : vector<1024xf32>
    %reduce_sum3A_110 = vector.multi_reduction <add>, %convert_element_type3A_105, %reduce_sum3A_109 [0] : vector<256x1024xf32> to vector<1024xf32>
    %broadcast_in_dim3A_111 = vector.shape_cast %reduce_sum3A_110 : vector<1024xf32> to vector<1x1024xf32>
    %add3A_112 = arith.addf %get3A_108, %broadcast_in_dim3A_111 : vector<1x1024xf32>
    %swap3A_113 = arith.constant 0 : index
    %swap3A_114 = arith.constant 0 : index
    %swap3A_115 = vector.load %arg10[%swap3A_113, %swap3A_114] : memref<1x1024xf32, #tpu.memory_space<vmem>>, vector<1x1024xf32>
    tpu.vector_store %arg10[%swap3A_113, %swap3A_114], %add3A_112 {strides = array<i32>} : memref<1x1024xf32, #tpu.memory_space<vmem>>, vector<1x1024xf32>,
    %swap3A_116 = arith.constant 0 : index
    %swap3A_117 = arith.constant 0 : index
    %swap3A_118 = arith.constant 512 : index
    %swap3A_119 = vector.load %arg6[%swap3A_116, %swap3A_117, %swap3A_118] : memref<1x1x1024xi32, #tpu.memory_space<vmem>>, vector<1x1x256xi32>
    %swap3A_120 = vector.shape_cast %swap3A_119 : vector<1x1x256xi32> to vector<256xi32>
    %swap3A_121 = vector.shape_cast %argmin3A_99 : vector<256xi32> to vector<1x1x256xi32>
    tpu.vector_store %arg6[%swap3A_116, %swap3A_117, %swap3A_118], %swap3A_121 {strides = array<i32>} : memref<1x1x1024xi32, #tpu.memory_space<vmem>>, vector<1x1x256xi32>,
    %get3A_122 = arith.constant 768 : index
    %get3A_123 = arith.constant 0 : index
    %get3A_124 = vector.load %arg1[%get3A_122, %get3A_123] : memref<1024x256xf32, #tpu.memory_space<vmem>>, vector<256x256xf32>
    %jit3A_125 = arith.constant -1.000000e+00 : f32
    %jit3A_126 = arith.constant 1.000000e+00 : f32
    %max3A_127 = vector.broadcast %jit3A_125 : f32 to vector<256x256xf32>
    %max3A_128 = arith.maximumf %max3A_127, %get3A_124 : vector<256x256xf32>
    %min3A_129 = vector.broadcast %jit3A_126 : f32 to vector<256x256xf32>
    %min3A_130 = arith.minimumf %min3A_129, %max3A_128 : vector<256x256xf32>
    %slice3A_131 = vector.extract_strided_slice %transpose3A {offsets = [768, 0], sizes = [256, 1], strides = [1, 1]} : vector<1024x1xf32> to vector<256x1xf32>
    %get3A_132 = arith.constant 0 : index
    %get3A_133 = arith.constant 0 : index
    %get3A_134 = vector.load %arg8[%get3A_132, %get3A_133] : memref<1024x256xf32, #tpu.memory_space<vmem>>, vector<1024x256xf32>
    %dot_general3A_135 = arith.constant dense<0.000000e+00> : vector<256x1024xf32>
    %dot_general3A_136 = tpu.matmul %min3A_130, %get3A_134, %dot_general3A_135 {dimension_numbers = #tpu.dot_dimension_numbers<[1], [1], [0], [0], [0, 0, 1, 0], [], []>, transpose_lhs_hint = false} : vector<256x256xf32>, vector<1024x256xf32>, vector<256x1024xf32> -> vector<256x1024xf32>
    %add3A_137 = vector.broadcast %get3A_3 : vector<1x1024xf32> to vector<256x1024xf32>
    %add3A_138 = vector.broadcast %slice3A_131 : vector<256x1xf32> to vector<256x1024xf32>
    %add3A_139 = arith.addf %add3A_137, %add3A_138 : vector<256x1024xf32>
    %sub3A_140 = arith.subf %add3A_139, %dot_general3A_136 : vector<256x1024xf32>
    %argmin3A_141 = tpu.reduce_index %sub3A_140 {axis = 1 : i32, kind = #tpu.reduction_kind<arg_min>} : vector<256x1024xf32> -> vector<256xi32>
    %iota3A_142 = tpu.iota {dimensions = array<i32: 1>} : vector<256x1024xi32>
    %broadcast_in_dim3A_143 = vector.shape_cast %argmin3A_141 : vector<256xi32> to vector<256x1xi32>
    %eq3A_144 = vector.broadcast %broadcast_in_dim3A_143 : vector<256x1xi32> to vector<256x1024xi32>
    %eq3A_145 = arith.cmpi eq, %iota3A_142, %eq3A_144 : vector<256x1024xi32>
    %convert_element_type3A_146 = arith.extui %eq3A_145 : vector<256x1024xi1> to vector<256x1024xi32>
    %convert_element_type3A_147 = arith.sitofp %convert_element_type3A_146 : vector<256x1024xi32> to vector<256x1024xf32>
    %get3A_148 = arith.constant 0 : index
    %get3A_149 = arith.constant 0 : index
    %get3A_150 = vector.load %arg10[%get3A_148, %get3A_149] : memref<1x1024xf32, #tpu.memory_space<vmem>>, vector<1x1024xf32>
    %reduce_sum3A_151 = arith.constant dense<0.000000e+00> : vector<1024xf32>
    %reduce_sum3A_152 = vector.multi_reduction <add>, %convert_element_type3A_147, %reduce_sum3A_151 [0] : vector<256x1024xf32> to vector<1024xf32>
    %broadcast_in_dim3A_153 = vector.shape_cast %reduce_sum3A_152 : vector<1024xf32> to vector<1x1024xf32>
    %add3A_154 = arith.addf %get3A_150, %broadcast_in_dim3A_153 : vector<1x1024xf32>
    %swap3A_155 = arith.constant 0 : index
    %swap3A_156 = arith.constant 0 : index
    %swap3A_157 = vector.load %arg10[%swap3A_155, %swap3A_156] : memref<1x1024xf32, #tpu.memory_space<vmem>>, vector<1x1024xf32>
    tpu.vector_store %arg10[%swap3A_155, %swap3A_156], %add3A_154 {strides = array<i32>} : memref<1x1024xf32, #tpu.memory_space<vmem>>, vector<1x1024xf32>,
    %swap3A_158 = arith.constant 0 : index
    %swap3A_159 = arith.constant 0 : index
    %swap3A_160 = arith.constant 768 : index
    %swap3A_161 = vector.load %arg6[%swap3A_158, %swap3A_159, %swap3A_160] : memref<1x1x1024xi32, #tpu.memory_space<vmem>>, vector<1x1x256xi32>
    %swap3A_162 = vector.shape_cast %swap3A_161 : vector<1x1x256xi32> to vector<256xi32>
    %swap3A_163 = vector.shape_cast %argmin3A_141 : vector<256xi32> to vector<1x1x256xi32>
    tpu.vector_store %arg6[%swap3A_158, %swap3A_159, %swap3A_160], %swap3A_163 {strides = array<i32>} : memref<1x1x1024xi32, #tpu.memory_space<vmem>>, vector<1x1x256xi32>,
    %eq3A_164 = arith.constant 15 : i32
    %eq3A_165 = arith.cmpi eq, %arg0, %eq3A_164 : i32
    %convert_element_type3A_166 = arith.extui %eq3A_165 : i1 to i32
    %cond3A_167 = arith.constant 0 : i32
    %cond3A_168 = arith.cmpi ne, %convert_element_type3A_166, %cond3A_167 : i32
    scf.if %cond3A_168 {
      %get3A_169 = arith.constant 0 : index
      %get3A_170 = arith.constant 0 : index
      %get3A_171 = vector.load %arg10[%get3A_169, %get3A_170] : memref<1x1024xf32, #tpu.memory_space<vmem>>, vector<1x1024xf32>
      %get3A_172 = arith.constant 0 : index
      %get3A_173 = arith.constant 0 : index
      %get3A_174 = vector.load %arg9[%get3A_172, %get3A_173] : memref<1x1024xf32, #tpu.memory_space<vmem>>, vector<1x1024xf32>
      %mul3A = arith.mulf %get3A_171, %get3A_174 : vector<1x1024xf32>
      %reduce_sum3A_175 = vector.shape_cast %mul3A : vector<1x1024xf32> to vector<1x1x1024xf32>
      %reduce_sum3A_176 = arith.constant dense<0.000000e+00> : vector<1xf32>
      %reduce_sum3A_177 = vector.multi_reduction <add>, %reduce_sum3A_175, %reduce_sum3A_176 [1, 2] : vector<1x1x1024xf32> to vector<1xf32>
      %reduce_sum3A_178 = vector.shape_cast %reduce_sum3A_177 : vector<1xf32> to vector<1x1x1xf32>
      %reduce_sum3A_179 = vector.extract %reduce_sum3A_178[0, 0, 0] : f32 from vector<1x1x1xf32>
      %swap3A_180 = arith.constant 0 : index
      %swap3A_181 = arith.constant 0 : index
      %swap3A_182 = memref.load %arg7[%swap3A_180, %swap3A_181] : memref<1x1xf32, #tpu.memory_space<smem>>
      memref.store %reduce_sum3A_179, %arg7[%swap3A_180, %swap3A_181] : memref<1x1xf32, #tpu.memory_space<smem>>
    } else {
    }
    return
  }
  func.func @transform_0(%arg0: i32) -> (i32, i32) {
    %c0_i32 = arith.constant 0 : i32
    %c0_i32_0 = arith.constant 0 : i32
    return %arg0, %c0_i32 : i32, i32
  }
  func.func @transform_1(%arg0: i32) -> (i32, i32, i32) {
    %c0_i32 = arith.constant 0 : i32
    %c0_i32_0 = arith.constant 0 : i32
    %c0_i32_1 = arith.constant 0 : i32
    return %arg0, %c0_i32, %c0_i32_0 : i32, i32, i32
  }
  func.func @transform_2(%arg0: i32) -> (i32, i32) {
    %c0_i32 = arith.constant 0 : i32
    %c0_i32_0 = arith.constant 0 : i32
    %c0_i32_1 = arith.constant 0 : i32
    return %c0_i32, %c0_i32_0 : i32, i32
  }
  func.func @transform_5(%arg0: i32) -> (i32, i32, i32) {
    %c0_i32 = arith.constant 0 : i32
    %c0_i32_0 = arith.constant 0 : i32
    %c0_i32_1 = arith.constant 0 : i32
    return %arg0, %c0_i32, %c0_i32_0 : i32, i32, i32
  }
  func.func @transform_6(%arg0: i32) -> (i32, i32) {
    %c0_i32 = arith.constant 0 : i32
    %c0_i32_0 = arith.constant 0 : i32
    %c0_i32_1 = arith.constant 0 : i32
    return %c0_i32, %c0_i32_0 : i32, i32
  }
}

</mosaic_0001>

<sc_bundles>
// kernel: kernel.5.cloned.1.call-start
scs
__scs_entry_jumppad:
0x0: {  	(pc) =	sbr.rel $0x88, $3  }
0x1: {  	(tag) =	ssettag $0x0;
	lr =	simm.s32 $0x1  }
0x2: {  	[smem:$0x3F9E] =	sst lr;
	_ =	strace $0xD0000000  }
0x3: {  	_ = 	snop  }
0x4: {  	_ = 	snop  }
0x5: {  	_ = 	snop  }
0x6: {  	_ = 	snop  }
0x7: {  	_ = 	snop  }
__scs_overlays_trampoline_lowered:
0x8: {  	[smem:$0x3FAD] =	sst s0  }
0x9: {  	[smem:$0x3FAE] =	sst s1  }
0xa: {  	[smem:$0x3FAF] =	sst s2  }
0xb: {  	[smem:$0x3FB0] =	sst s3  }
0xc: {  	[smem:$0x3FB1] =	sst s4  }
0xd: {  	[smem:$0x3FB2] =	sst s5  }
0xe: {  	[smem:$0x3FB3] =	sst s6  }
0xf: {  	[smem:$0x3FB4] =	sst s7  }
0x10: {  	[smem:$0x3FB5] =	sst s8  }
0x11: {  	[smem:$0x3FB6] =	sst s9;
	s0 =	simm.s32 @!p0 $0x0  }
0x12: {  	s1 =	sld [smem:$0x3F9C];
	s0 =	simm.s32 @p0 $0x1  }
0x13: {  	[smem:$0x3FB7] =	sst s0;
	s0 =	simm.s32 @!p1 $0x0  }
0x14: {  	s2 =	sld [smem:$0x3F9B];
	s0 =	simm.s32 @p1 $0x1  }
0x15: {  	[smem:$0x3FB8] =	sst s0;
	s0 =	simm.s32 @!p2 $0x0  }
0x16: {  	s3 =	sld [smem:$0x3FDB];
	s0 =	simm.s32 @p2 $0x1  }
0x17: {  	s4 =	simm.s32 $0x1BF5;
	[smem:$0x3FBA] =	sst s0  }
0x18: {  	s0 =	sld [smem:$0x3F9D];
	_ =	swait.ge [sflag:s4], $0x0  }
0x19: {  	s7 =	sld [smem:$0x3F9E]  }
0x1a: {  	s8 =	sadd.s32 $0xFFFFE003, lr  }
0x1b: {  	s9 =	sadd.s32 $0xFFFFFEF7, lr;
	s5 =	simm.s32 $0xFFFFFFFF;
	p2 =	slt.u32 s8, $0xFFFFF086  }
0x1c: {  	p1 =	slt.u32 s9, $0xF7A;
	s5 =	simm.s32 @!p2 $0x0  }
0x1d: {  	s5 =	simm.s32 @p1 $0x1;
	p0 =	seq.s32 s7, s2  }
0x1e: {  	s7 =	smul.u32 @!p0 $0xF7A, s2;
	p2 =	seq.s32 @!p0 s5, $0x0  }
0x1f: {  	s9 =	smul.u32 $0xF7A, s1;
	s8 =	simm.s32 @!p0 $0x1BF5;
	p2 =	por !p2, p0  }
0x20: {  	[sflag:s8] =	ssyncset.s32 @!p0 $0xFFFFF086;
	s6 =	sadd.s32 @!p0 s3, s7;
	s7 =	simm.s32 @!p0 $0x108  }
0x21: {  	s3 =	sadd.s32 s3, s9;
	s6 =	sadd.s32 @!p0 $0x88, s6;
	s7 =	simm.s32 @p2 $0x1082  }
0x22: {  	[simem:s7], [sflag:s8] =	dma.local @!p0 [hbm:s6], $0xF7A  }
0x23: {  	s9 =	sor.u32 $0xD0000000, s2;
	s6 =	simm.s32 $0x108;
	_ =	swait.ge @!p0 [sflag:s8], $0x0  }
0x24: {  	s3 =	sadd.s32 $0x88, s3;
	s6 =	simm.s32 @!p1 $0x1082;
	[sflag:s4] =	ssyncset.s32 $0xFFFFF086  }
0x25: {  	[simem:s6], [sflag:s4] =	dma.local [hbm:s3], $0xF7A  }
0x26: {  	[smem:$0x3F9E] =	sst s1;
	(tag) =	ssettag s2;
	_ =	strace s9  }
0x27: {  	s1 =	sld [smem:$0x3FAE]  }
0x28: {  	s2 =	sld [smem:$0x3FAF]  }
0x29: {  	s4 =	sld [smem:$0x3FB1]  }
0x2a: {  	p0 =	seq.s32 s5, $0x0;
	s5 =	sld [smem:$0x3FB2]  }
0x2b: {  	s6 =	sld [smem:$0x3FB3]  }
0x2c: {  	s7 =	sld [smem:$0x3FB4]  }
0x2d: {  	s3 =	simm.s32 $0x108;
	s8 =	sld [smem:$0x3FB5]  }
0x2e: {  	s3 =	simm.s32 @!p0 $0x1082;
	s9 =	sld [smem:$0x3FB6]  }
0x2f: {  	lr =	sadd.s32 s0, s3;
	s0 =	sld [smem:$0x3FAD]  }
0x30: {  	s3 =	sld [smem:$0x3FB0]  }
0x31: {  	[smem:$0x3FB9] =	sst s10  }
0x32: {  	s10 =	sld [smem:$0x3FB7];
	_ =	sdelay $0x3  }
0x33: {  	p0 =	seq.s32 s10, $0x1;
	s10 =	sld [smem:$0x3FB9];
	_ =	sdelay $0x3  }
0x34: {  	[smem:$0x3FB9] =	sst s10  }
0x35: {  	s10 =	sld [smem:$0x3FB8];
	_ =	sdelay $0x3  }
0x36: {  	p1 =	seq.s32 s10, $0x1;
	s10 =	sld [smem:$0x3FB9];
	_ =	sdelay $0x3  }
0x37: {  	[smem:$0x3FB9] =	sst s10  }
0x38: {  	s10 =	sld [smem:$0x3FBA]  }
0x39: {  	_ = 	snop;
	(pc) =	sbr.ind lr, $3  }
0x3a: {  	_ = 	snop  }
0x3b: {  	_ = 	snop  }
0x3c: {  	p2 =	seq.s32 s10, $0x1;
	s10 =	sld [smem:$0x3FB9]  }
0x3d: {  	_ =	shalt  }
0x3e: {  	_ =	shalt  }
0x3f: {  	_ =	shalt  }
0x40: {  	_ =	shalt  }
0x41: {  	_ =	shalt  }
0x42: {  	_ =	shalt  }
0x43: {  	_ =	shalt  }
0x44: {  	_ =	shalt  }
0x45: {  	_ =	shalt  }
0x46: {  	_ =	shalt  }
0x47: {  	_ =	shalt  }
0x48: {  	_ =	shalt  }
0x49: {  	_ =	shalt  }
0x4a: {  	_ =	shalt  }
0x4b: {  	_ =	shalt  }
0x4c: {  	_ =	shalt  }
0x4d: {  	_ =	shalt  }
0x4e: {  	_ =	shalt  }
0x4f: {  	_ =	shalt  }
0x50: {  	_ =	shalt  }
0x51: {  	_ =	shalt  }
0x52: {  	_ =	shalt  }
0x53: {  	_ =	shalt  }
0x54: {  	_ =	shalt  }
0x55: {  	_ =	shalt  }
0x56: {  	_ =	shalt  }
0x57: {  	_ =	shalt  }
0x58: {  	_ =	shalt  }
0x59: {  	_ =	shalt  }
0x5a: {  	_ =	shalt  }
0x5b: {  	_ =	shalt  }
0x5c: {  	_ =	shalt  }
0x5d: {  	_ =	shalt  }
0x5e: {  	_ =	shalt  }
0x5f: {  	_ =	shalt  }
0x60: {  	_ =	shalt  }
0x61: {  	_ =	shalt  }
0x62: {  	_ =	shalt  }
0x63: {  	_ =	shalt  }
0x64: {  	_ =	shalt  }
0x65: {  	_ =	shalt  }
0x66: {  	_ =	shalt  }
0x67: {  	_ =	shalt  }
0x68: {  	_ =	shalt  }
0x69: {  	_ =	shalt  }
0x6a: {  	_ =	shalt  }
0x6b: {  	_ =	shalt  }
0x6c: {  	_ =	shalt  }
0x6d: {  	_ =	shalt  }
0x6e: {  	_ =	shalt  }
0x6f: {  	_ =	shalt  }
0x70: {  	_ =	shalt  }
0x71: {  	_ =	shalt  }
0x72: {  	_ =	shalt  }
0x73: {  	_ =	shalt  }
0x74: {  	_ =	shalt  }
0x75: {  	_ =	shalt  }
0x76: {  	_ =	shalt  }
0x77: {  	_ =	shalt  }
0x78: {  	_ =	shalt  }
0x79: {  	_ =	shalt  }
0x7a: {  	_ =	shalt  }
0x7b: {  	_ =	shalt  }
0x7c: {  	_ =	shalt  }
0x7d: {  	_ =	shalt  }
0x7e: {  	_ =	shalt  }
0x7f: {  	_ =	shalt  }
0x80: {  	_ =	shalt  }
0x81: {  	_ =	shalt  }
0x82: {  	_ =	shalt  }
0x83: {  	_ =	shalt  }
0x84: {  	_ =	shalt  }
0x85: {  	_ =	shalt  }
0x86: {  	_ =	shalt  }
0x87: {  	_ =	shalt  }
.Lfunc_end0:
.L_simem_size_0:
called_computation_lowered:
.L_overlay_start_0:
0x88: {  	s2 =	sld [smem:$0x3FD9]  }
0x89: {  	s3 =	sld [smem:$0x3FFE];
	_ =	sdelay $0x1  }
0x8a: {  	s1 =	srdreg.scid  }
0x8b: {  	s0 =	sand.u32 $0x1, s1  }
0x8c: {  	s14 =	sshll.u32 s0, $0xA;
	s2 =	sadd.s32 s3, s2  }
0x8d: {  	s2 =	sadd.s32 s2, s14  }
0x8e: {  	[smem:$0x3FC5] =	sst s2  }
0x8f: {  	_ = 	snop  }
0x90: {  	s2 =	sld [smem:$0x3FD0];
	_ =	sdelay $0x2  }
0x91: {  	s4 =	simm.s32 $0xA;
	s5 =	simm.s32 $0x10;
	s15 =	sld [smem:$0x3FC8]  }
0x92: {  	[smem:s5], [sflag:s4] =	dma.local [hbm:s2], $0x1  }
0x93: {  	_ =	swait.eq [sflag:s4], $0x1  }
0x94: {  	[sflag:s4] =	ssyncset.done $0x0  }
0x95: {  	s16 =	sld [smem:$0x10];
	[sflag:s4] =	ssyncadd.s32 $0xFFFFFFFF  }
0x96: {  	s17 =	sld [smem:$0x11];
	(tm) =	ssettm $0x1  }
0x97: {  	s18 =	sld [smem:$0x3FFB];
	_ =	sdelay $0x3  }
0x98: {  	_ =	strace s18  }
0x99: {  	s5 =	sld [smem:$0x3FFC];
	_ =	sdelay $0x3  }
0x9a: {  	_ =	strace s5  }
0x9b: {  	s5 =	sld [smem:$0x3FFD];
	_ =	sdelay $0x3  }
0x9c: {  	_ =	strace s5  }
0x9d: {  	_ =	strace $0x8FFFFFFF  }
0x9e: {  	s19 =	sld [smem:$0x3FDB];
	_ =	sdelay $0x1  }
0x9f: {  	s6 =	simm.s32 $_scs_section_size  }
0xa0: {  	s7 =	simm.s32 $_size__tile_overlayer_lowered;
	s8 =	simm.s32 $_tile_overlayer_lowered  }
0xa1: {  	s22 =	simm.s32 $0x1BFF;
	s21 =	sshll.u32 s8, $0x1;
	s5 =	sadd.s32 s6, s19  }
0xa2: {  	s9 =	simm.s32 $0x0;
	s20 =	sshll.u32 s7, $0x1;
	s7 =	sadd.s32 s21, s5  }
0xa3: {  	[timem:s9], [sflag:s22] =	dma.local [hbm:s7], s20  }
0xa4: {  	_ =	swait.ge [sflag:s22], s20  }
0xa5: {  	s6 =	ssub.s32 $0x0, s20;
	[sflag:s22] =	ssyncset.done $0x0  }
0xa6: {  	[sflag:s22] =	ssyncadd.s32 s6;
	_ =	sdelay $0x1  }
0xa7: {  	s23 =	simm.s32 $0x1B8B  }
0xa8: {  	_ =	swait.ge [sflag:s23], $0x1  }
0xa9: {  	[sflag:s23] =	ssyncset.done $0x0  }
0xaa: {  	s25 =	simm.s32 $0x1B8E;
	s24 =	sld [smem:$0x3FFE];
	[sflag:s23] =	ssyncadd.s32 $0xFFFFFFFF  }
0xab: {  	s26 =	simm.s32 $execute0_lowered;
	[smem:$0x3FD2] =	sst s25  }
0xac: {  	s7 =	sshll.u32 s26, $0x1;
	_ =	strace $0x80000046;
	[dreg:$0x1] =	wrdreg $0xFFFFFFFF  }
0xad: {  	s28 =	simm.s32 $_size_execute0_lowered;
	s5 =	sadd.s32 s5, s7;
	[dreg:$0x0] =	wrdreg $0x0  }
0xae: {  	s7 =	sshll.u32 s28, $0x1;
	[dreg:$0x2] =	wrdreg s5  }
0xaf: {  	[dreg:$0x3] =	wrdreg s7  }
0xb0: {  	[dreg:$0x4] =	wrdreg $0xC0  }
0xb1: {  	_ =	task [dreg:s9], $0x5FFFF  }
0xb2: {  	[dreg:$0x1] =	wrdreg $0xFFFFFFFF  }
0xb3: {  	[dreg:$0x0] =	wrdreg $0x60  }
0xb4: {  	[dreg:$0x2] =	wrdreg s15  }
0xb5: {  	[dreg:$0x3] =	wrdreg s24  }
0xb6: {  	[dreg:$0x4] =	wrdreg s17  }
0xb7: {  	[dreg:$0x5] =	wrdreg s16  }
0xb8: {  	[dreg:$0x6] =	wrdreg $0x9  }
0xb9: {  	_ =	task.clear_ibuf [dreg:s9], $0x7FFFF;
	_ =	strace $0x90000046  }
0xba: {  	s29 =	simm.s32 $0x9;
	_ =	strace $0x80000048  }
0xbb: {  	_ =	swait.ge [sflag:s29], $0x1  }
0xbc: {  	[sflag:s29] =	ssyncadd.s32 $0xFFFFFFFF  }
0xbd: {  	_ =	strace $0x90000048  }
0xbe: {  	_ =	sfence  }
0xbf: {  	s30 =	sld [smem:$0x0];
	_ =	sdelay $0x2  }
0xc0: {  	s31 =	sshll.u32 s1, $0xD;
	s1 =	sshrl.u32 s1, $0x2  }
0xc1: {  	s3 =	sand.u32 $0x4000, s31;
	s1 =	sadd.s32 s1, s30  }
0xc2: {  	s0 =	sor.u32 s3, s0;
	s1 =	sshll.u32 s1, $0x11  }
0xc3: {  	s0 =	sor.u32 s1, s0  }
0xc4: {  	s0 =	sadd.s32 $0x8F2B, s0  }
0xc5: {  	[sflag:s0] =	ssyncadd.remote.s32 $0x1  }
0xc6: {  	_ =	sfence.sel $0xFFFF  }
0xc7: {  	[dreg:$0x0] =	wrdreg $0xFFFFFFFF;
	(pc) =	sbr.abs _section_cstart, $3  }
0xc8: {  	[dreg:$0x1] =	wrdreg $0xFFFFFFFF  }
0xc9: {  	_ =	task.clear_ibuf [dreg:s9], $0x2FFFF;
	_ =	strace $0x9FFFFFFF  }
0xca: {  	(tm) =	ssettm $0x7FFFFFFF  }
0xcb: {  	_ =	shalt  }
tec
execute0_lowered:
.L_overlay_start_1:
0x0: {  	(tag) =	ssettag $0x1  }
0x1: {  	s1 =	rddreg [dreg:$0x0]  }
0x2: {  	s0 =	rddreg [dreg:$0x1];
	s2 =	srdreg.scid  }
0x3: {  	s4 =	rddreg [dreg:$0x2];
	s3 =	stileid.u32  }
0x4: {  	s5 =	rddreg [dreg:$0x3];
	s30 =	simm.s32 $0x80;
	s2 =	sand.u32 $0x1, s2  }
0x5: {  	s6 =	sshll.u32 s3, $0xA;
	s3 =	simm.s32 $0x0;
	s13 =	sadd.s32 $0x8C00, s0  }
0x6: {  	s7 =	sshll.u32 s2, $0x9;
	[smem:$0x7FF] =	sst s3;
	s2 =	ssub.s32 $0x2, s2  }
0x7: {  	s6 =	sor.u32 s7, s6;
	_ =	strace $0x80000047;
	s29 =	sshrl.u32 s2, $0x1  }
0x8: {  	s8 =	sshrl.u32 s6, $0x3;
	s9 =	sshll.u32 s6, $0x5;
	s10 =	sor.u32 $0x80, s6  }
0x9: {  	s20 =	sor.u32 $0x100, s6;
	s6 =	sor.u32 $0x180, s6;
	s8 =	sadd.s32 s13, s8  }
0xa: {  	s31 =	ssub.s32 s2, s29;
	s14 =	sadd.s32 s4, s9;
	[dreg:$0x5] =	wrdreg s8  }
0xb: {  	s15 =	sadd.s32 s5, s9;
	s16 =	sshrl.u32 s10, $0x3;
	[dreg:$0x6] =	wrdreg s14  }
0xc: {  	s18 =	sshll.u32 s10, $0x5;
	[dreg:$0x7] =	wrdreg s15;
	s17 =	sadd.s32 s13, s16  }
0xd: {  	s22 =	sshrl.u32 s20, $0x3;
	s19 =	sadd.s32 s4, s18;
	[dreg:$0x8] =	wrdreg s17  }
0xe: {  	s24 =	sshll.u32 s20, $0x5;
	s21 =	sadd.s32 s5, s18;
	[dreg:$0x9] =	wrdreg s19  }
0xf: {  	s28 =	sshrl.u32 s6, $0x3;
	s23 =	sadd.s32 s13, s22;
	[dreg:$0xa] =	wrdreg s21  }
0x10: {  	s6 =	sshll.u32 s6, $0x5;
	s25 =	sadd.s32 s4, s24;
	[dreg:$0xb] =	wrdreg s23  }
0x11: {  	s26 =	sadd.s32 s5, s24;
	s7 =	sadd.s32 s13, s28;
	[dreg:$0xc] =	wrdreg s25  }
0x12: {  	s4 =	sadd.s32 s4, s6;
	s5 =	sadd.s32 s5, s6;
	[dreg:$0xd] =	wrdreg s26  }
0x13: {  	v2 =	vlaneseq.u32;
	s6 =	simm.s32 $0x3;
	s14 =	simm.s32 $0x1;
	[dreg:$0xe] =	wrdreg s7  }
0x14: {  	vm0 =	vmmov $0xffff;
	v1 =	vshrl.u32 v2, $0x3;
	s15 =	simm.s32 $0x2;
	[dreg:$0xf] =	wrdreg s4;
	s4 =	sadd.s32 $0xC00, s0  }
0x15: {  	v0 =	vand.u32 $0x7, v2;
	v2 =	vor.u32 $0x8, v2;
	v1 =	vmul.u32 $0x8, v1;
	[dreg:$0x10] =	wrdreg s5;
	s5 =	smax.u32 s31, $0x1;
	s23 =	simm.s32 $0x8080  }
.LBB2_1:
0x16: {  	s16 =	rddreg [dreg:$0x5]  }
0x17: {  	[tilespmem:s3], [sflag:$0x3] =	stream.linear.gather [hbm4b:s16+s3], $0x80, $0x38;
	[tilespmem:$0x10080] =	vst v63  }
0x18: {  	_ =	swait.ge [sflag:s6], $0x80  }
0x19: {  	[sflag:s6] =	ssyncset.done $0x0  }
0x1a: {  	[sflag:s6] =	ssyncadd.s32 $0xFFFFFF80  }
0x1b: {  	v3 =	vld [tilespmem:$0x0];
	_ =	sdelay $0x4  }
0x1c: {  	v4 =	vshll.u32 v3, $0x1  }
0x1d: {  	v3 =	vand.u32 $0x7, v3;
	v4 =	vand.u32 $0xFFFFFFF0, v4  }
0x1e: {  	v3 =	vor.u32 v3, v4  }
0x1f: {  	v4 =	vperm.xlane v3, v0;
	_ =	sdelay $0x1  }
0x20: {  	v3 =	vperm.xlane v3, v2;
	v4 =	vadd.s32 v1, v4;
	_ =	sdelay $0x1  }
0x21: {  	v3 =	vadd.s32 v1, v3;
	_ =	sdelay $0x2  }
0x22: {  	[tilespmem:s30], [sflag:$0x1] =	stream.indirect_vreg.gather [hbm4b:s1+s3], $0x80, v4, vm0, $0xb8;
	[tilespmem:$0x10080] =	vst v63  }
0x23: {  	s0 =	simm.s32 $0x880  }
0x24: {  	[tilespmem:s0], [sflag:$0x1] =	stream.indirect_vreg.gather [hbm4b:s1+s3], $0x80, v3, vm0, $0xb8;
	[tilespmem:$0x10080] =	vst v63  }
0x25: {  	v3 =	vld [tilespmem:$0x10];
	_ =	sdelay $0x4  }
0x26: {  	v57 =	vshll.u32 v3, $0x1  }
0x27: {  	v3 =	vand.u32 $0x7, v3;
	v4 =	vand.u32 $0xFFFFFFF0, v57  }
0x28: {  	v3 =	vor.u32 v3, v4  }
0x29: {  	v4 =	vperm.xlane v3, v0;
	_ =	sdelay $0x1  }
0x2a: {  	v3 =	vperm.xlane v3, v2;
	v4 =	vadd.s32 v1, v4;
	_ =	sdelay $0x1  }
0x2b: {  	v3 =	vadd.s32 v1, v3;
	_ =	sdelay $0x1  }
0x2c: {  	s9 =	simm.s32 $0x1080  }
0x2d: {  	[tilespmem:s9], [sflag:$0x1] =	stream.indirect_vreg.gather [hbm4b:s1+s3], $0x80, v4, vm0, $0xb8;
	[tilespmem:$0x10080] =	vst v63  }
0x2e: {  	s10 =	simm.s32 $0x1880  }
0x2f: {  	[tilespmem:s10], [sflag:$0x1] =	stream.indirect_vreg.gather [hbm4b:s1+s3], $0x80, v3, vm0, $0xb8;
	[tilespmem:$0x10080] =	vst v63  }
0x30: {  	v3 =	vld [tilespmem:$0x20];
	_ =	sdelay $0x4  }
0x31: {  	v58 =	vshll.u32 v3, $0x1  }
0x32: {  	v3 =	vand.u32 $0x7, v3;
	v4 =	vand.u32 $0xFFFFFFF0, v58  }
0x33: {  	v3 =	vor.u32 v3, v4  }
0x34: {  	v4 =	vperm.xlane v3, v0;
	_ =	sdelay $0x1  }
0x35: {  	v3 =	vperm.xlane v3, v2;
	v4 =	vadd.s32 v1, v4;
	_ =	sdelay $0x1  }
0x36: {  	v3 =	vadd.s32 v1, v3;
	_ =	sdelay $0x1  }
0x37: {  	s11 =	simm.s32 $0x2080  }
0x38: {  	[tilespmem:s11], [sflag:$0x1] =	stream.indirect_vreg.gather [hbm4b:s1+s3], $0x80, v4, vm0, $0xb8;
	[tilespmem:$0x10080] =	vst v63  }
0x39: {  	s12 =	simm.s32 $0x2880  }
0x3a: {  	[tilespmem:s12], [sflag:$0x1] =	stream.indirect_vreg.gather [hbm4b:s1+s3], $0x80, v3, vm0, $0xb8;
	[tilespmem:$0x10080] =	vst v63  }
0x3b: {  	v3 =	vld [tilespmem:$0x30];
	_ =	sdelay $0x4  }
0x3c: {  	v59 =	vshll.u32 v3, $0x1  }
0x3d: {  	v3 =	vand.u32 $0x7, v3;
	v4 =	vand.u32 $0xFFFFFFF0, v59  }
0x3e: {  	v3 =	vor.u32 v3, v4  }
0x3f: {  	v4 =	vperm.xlane v3, v0;
	_ =	sdelay $0x1  }
0x40: {  	v3 =	vperm.xlane v3, v2;
	v4 =	vadd.s32 v1, v4;
	_ =	sdelay $0x1  }
0x41: {  	v3 =	vadd.s32 v1, v3;
	_ =	sdelay $0x1  }
0x42: {  	s13 =	simm.s32 $0x3080  }
0x43: {  	[tilespmem:s13], [sflag:$0x1] =	stream.indirect_vreg.gather [hbm4b:s1+s3], $0x80, v4, vm0, $0xb8;
	[tilespmem:$0x10080] =	vst v63  }
0x44: {  	s16 =	simm.s32 $0x3880  }
0x45: {  	[tilespmem:s16], [sflag:$0x1] =	stream.indirect_vreg.gather [hbm4b:s1+s3], $0x80, v3, vm0, $0xb8;
	[tilespmem:$0x10080] =	vst v63  }
0x46: {  	v3 =	vld [tilespmem:$0x40];
	_ =	sdelay $0x4  }
0x47: {  	v60 =	vshll.u32 v3, $0x1  }
0x48: {  	v3 =	vand.u32 $0x7, v3;
	v4 =	vand.u32 $0xFFFFFFF0, v60  }
0x49: {  	v3 =	vor.u32 v3, v4  }
0x4a: {  	v4 =	vperm.xlane v3, v0;
	_ =	sdelay $0x1  }
0x4b: {  	v3 =	vperm.xlane v3, v2;
	v4 =	vadd.s32 v1, v4;
	_ =	sdelay $0x1  }
0x4c: {  	v3 =	vadd.s32 v1, v3;
	_ =	sdelay $0x1  }
0x4d: {  	s17 =	simm.s32 $0x4080  }
0x4e: {  	[tilespmem:s17], [sflag:$0x1] =	stream.indirect_vreg.gather [hbm4b:s1+s3], $0x80, v4, vm0, $0xb8;
	[tilespmem:$0x10080] =	vst v63  }
0x4f: {  	s18 =	simm.s32 $0x4880  }
0x50: {  	[tilespmem:s18], [sflag:$0x1] =	stream.indirect_vreg.gather [hbm4b:s1+s3], $0x80, v3, vm0, $0xb8;
	[tilespmem:$0x10080] =	vst v63  }
0x51: {  	v3 =	vld [tilespmem:$0x50];
	_ =	sdelay $0x4  }
0x52: {  	v61 =	vshll.u32 v3, $0x1  }
0x53: {  	v3 =	vand.u32 $0x7, v3;
	v4 =	vand.u32 $0xFFFFFFF0, v61  }
0x54: {  	v3 =	vor.u32 v3, v4  }
0x55: {  	v4 =	vperm.xlane v3, v0;
	_ =	sdelay $0x1  }
0x56: {  	v3 =	vperm.xlane v3, v2;
	v4 =	vadd.s32 v1, v4;
	_ =	sdelay $0x1  }
0x57: {  	v3 =	vadd.s32 v1, v3;
	_ =	sdelay $0x1  }
0x58: {  	s19 =	simm.s32 $0x5080  }
0x59: {  	[tilespmem:s19], [sflag:$0x1] =	stream.indirect_vreg.gather [hbm4b:s1+s3], $0x80, v4, vm0, $0xb8;
	[tilespmem:$0x10080] =	vst v63  }
0x5a: {  	s20 =	simm.s32 $0x5880  }
0x5b: {  	[tilespmem:s20], [sflag:$0x1] =	stream.indirect_vreg.gather [hbm4b:s1+s3], $0x80, v3, vm0, $0xb8;
	[tilespmem:$0x10080] =	vst v63  }
0x5c: {  	v3 =	vld [tilespmem:$0x60];
	_ =	sdelay $0x4  }
0x5d: {  	v62 =	vshll.u32 v3, $0x1  }
0x5e: {  	v3 =	vand.u32 $0x7, v3;
	v4 =	vand.u32 $0xFFFFFFF0, v62  }
0x5f: {  	v3 =	vor.u32 v3, v4  }
0x60: {  	v4 =	vperm.xlane v3, v0;
	_ =	sdelay $0x1  }
0x61: {  	v3 =	vperm.xlane v3, v2;
	v4 =	vadd.s32 v1, v4;
	_ =	sdelay $0x1  }
0x62: {  	v3 =	vadd.s32 v1, v3;
	_ =	sdelay $0x1  }
0x63: {  	s21 =	simm.s32 $0x6080  }
0x64: {  	[tilespmem:s21], [sflag:$0x1] =	stream.indirect_vreg.gather [hbm4b:s1+s3], $0x80, v4, vm0, $0xb8;
	[tilespmem:$0x10080] =	vst v63  }
0x65: {  	s22 =	simm.s32 $0x6880  }
0x66: {  	[tilespmem:s22], [sflag:$0x1] =	stream.indirect_vreg.gather [hbm4b:s1+s3], $0x80, v3, vm0, $0xb8;
	[tilespmem:$0x10080] =	vst v63  }
0x67: {  	v3 =	vld [tilespmem:$0x70];
	_ =	sdelay $0x4  }
0x68: {  	v63 =	vshll.u32 v3, $0x1  }
0x69: {  	v3 =	vand.u32 $0x7, v3;
	v4 =	vand.u32 $0xFFFFFFF0, v63  }
0x6a: {  	v3 =	vor.u32 v3, v4  }
0x6b: {  	v4 =	vperm.xlane v3, v0;
	_ =	sdelay $0x1  }
0x6c: {  	v3 =	vperm.xlane v3, v2;
	v4 =	vadd.s32 v1, v4;
	_ =	sdelay $0x1  }
0x6d: {  	v3 =	vadd.s32 v1, v3;
	_ =	sdelay $0x1  }
0x6e: {  	s24 =	simm.s32 $0x7080  }
0x6f: {  	[tilespmem:s24], [sflag:$0x1] =	stream.indirect_vreg.gather [hbm4b:s1+s3], $0x80, v4, vm0, $0xb8;
	[tilespmem:$0x10080] =	vst v63  }
0x70: {  	s25 =	simm.s32 $0x7880  }
0x71: {  	[tilespmem:s25], [sflag:$0x1] =	stream.indirect_vreg.gather [hbm4b:s1+s3], $0x80, v3, vm0, $0xb8;
	[tilespmem:$0x10080] =	vst v63  }
0x72: {  	v3 =	vld [tilespmem:$0x0];
	_ =	sdelay $0x4  }
0x73: {  	v8 =	vshll.u32 v3, $0x1  }
0x74: {  	v3 =	vand.u32 $0x7, v3;
	v4 =	vand.u32 $0xFFFFFFF0, v8  }
0x75: {  	v3 =	vor.u32 v3, v4  }
0x76: {  	v4 =	vperm.xlane v3, v0;
	_ =	sdelay $0x1  }
0x77: {  	v3 =	vperm.xlane v3, v2;
	v4 =	vadd.s32 v1, v4;
	_ =	sdelay $0x1  }
0x78: {  	v3 =	vadd.s32 v1, v3;
	_ =	sdelay $0x2  }
0x79: {  	[tilespmem:s23], [sflag:$0x2] =	stream.indirect_vreg.gather [hbm4b:s4+s3], $0x80, v4, vm0, $0xb8;
	[tilespmem:$0x10080] =	vst v63  }
0x7a: {  	s26 =	simm.s32 $0x8880  }
0x7b: {  	[tilespmem:s26], [sflag:$0x2] =	stream.indirect_vreg.gather [hbm4b:s4+s3], $0x80, v3, vm0, $0xb8;
	[tilespmem:$0x10080] =	vst v63  }
0x7c: {  	v3 =	vld [tilespmem:$0x10];
	_ =	sdelay $0x4  }
0x7d: {  	v9 =	vshll.u32 v3, $0x1  }
0x7e: {  	v3 =	vand.u32 $0x7, v3;
	v4 =	vand.u32 $0xFFFFFFF0, v9  }
0x7f: {  	v3 =	vor.u32 v3, v4  }
0x80: {  	v4 =	vperm.xlane v3, v0;
	_ =	sdelay $0x1  }
0x81: {  	v3 =	vperm.xlane v3, v2;
	v4 =	vadd.s32 v1, v4;
	_ =	sdelay $0x1  }
0x82: {  	v3 =	vadd.s32 v1, v3;
	_ =	sdelay $0x1  }
0x83: {  	s28 =	simm.s32 $0x9080  }
0x84: {  	[tilespmem:s28], [sflag:$0x2] =	stream.indirect_vreg.gather [hbm4b:s4+s3], $0x80, v4, vm0, $0xb8;
	[tilespmem:$0x10080] =	vst v63  }
0x85: {  	s29 =	simm.s32 $0x9880  }
0x86: {  	[tilespmem:s29], [sflag:$0x2] =	stream.indirect_vreg.gather [hbm4b:s4+s3], $0x80, v3, vm0, $0xb8;
	[tilespmem:$0x10080] =	vst v63  }
0x87: {  	v3 =	vld [tilespmem:$0x20];
	_ =	sdelay $0x4  }
0x88: {  	v10 =	vshll.u32 v3, $0x1  }
0x89: {  	v3 =	vand.u32 $0x7, v3;
	v4 =	vand.u32 $0xFFFFFFF0, v10  }
0x8a: {  	v3 =	vor.u32 v3, v4  }
0x8b: {  	v4 =	vperm.xlane v3, v0;
	_ =	sdelay $0x1  }
0x8c: {  	v3 =	vperm.xlane v3, v2;
	v4 =	vadd.s32 v1, v4;
	_ =	sdelay $0x1  }
0x8d: {  	v3 =	vadd.s32 v1, v3;
	_ =	sdelay $0x1  }
0x8e: {  	s31 =	simm.s32 $0xA080  }
0x8f: {  	[tilespmem:s31], [sflag:$0x2] =	stream.indirect_vreg.gather [hbm4b:s4+s3], $0x80, v4, vm0, $0xb8;
	[tilespmem:$0x10080] =	vst v63  }
0x90: {  	s12 =	simm.s32 $0xA880  }
0x91: {  	[tilespmem:s12], [sflag:$0x2] =	stream.indirect_vreg.gather [hbm4b:s4+s3], $0x80, v3, vm0, $0xb8;
	[tilespmem:$0x10080] =	vst v63  }
0x92: {  	v3 =	vld [tilespmem:$0x30];
	_ =	sdelay $0x4  }
0x93: {  	v11 =	vshll.u32 v3, $0x1  }
0x94: {  	v3 =	vand.u32 $0x7, v3;
	v4 =	vand.u32 $0xFFFFFFF0, v11  }
0x95: {  	v3 =	vor.u32 v3, v4  }
0x96: {  	v4 =	vperm.xlane v3, v0;
	_ =	sdelay $0x1  }
0x97: {  	v3 =	vperm.xlane v3, v2;
	v4 =	vadd.s32 v1, v4;
	_ =	sdelay $0x1  }
0x98: {  	v3 =	vadd.s32 v1, v3;
	_ =	sdelay $0x1  }
0x99: {  	s16 =	simm.s32 $0xB080  }
0x9a: {  	[tilespmem:s16], [sflag:$0x2] =	stream.indirect_vreg.gather [hbm4b:s4+s3], $0x80, v4, vm0, $0xb8;
	[tilespmem:$0x10080] =	vst v63  }
0x9b: {  	s17 =	simm.s32 $0xB880  }
0x9c: {  	[tilespmem:s17], [sflag:$0x2] =	stream.indirect_vreg.gather [hbm4b:s4+s3], $0x80, v3, vm0, $0xb8;
	[tilespmem:$0x10080] =	vst v63  }
0x9d: {  	v3 =	vld [tilespmem:$0x40];
	_ =	sdelay $0x4  }
0x9e: {  	v12 =	vshll.u32 v3, $0x1  }
0x9f: {  	v3 =	vand.u32 $0x7, v3;
	v4 =	vand.u32 $0xFFFFFFF0, v12  }
0xa0: {  	v3 =	vor.u32 v3, v4  }
0xa1: {  	v4 =	vperm.xlane v3, v0;
	_ =	sdelay $0x1  }
0xa2: {  	v3 =	vperm.xlane v3, v2;
	v4 =	vadd.s32 v1, v4;
	_ =	sdelay $0x1  }
0xa3: {  	v3 =	vadd.s32 v1, v3;
	_ =	sdelay $0x1  }
0xa4: {  	s18 =	simm.s32 $0xC080  }
0xa5: {  	[tilespmem:s18], [sflag:$0x2] =	stream.indirect_vreg.gather [hbm4b:s4+s3], $0x80, v4, vm0, $0xb8;
	[tilespmem:$0x10080] =	vst v63  }
0xa6: {  	s19 =	simm.s32 $0xC880  }
0xa7: {  	[tilespmem:s19], [sflag:$0x2] =	stream.indirect_vreg.gather [hbm4b:s4+s3], $0x80, v3, vm0, $0xb8;
	[tilespmem:$0x10080] =	vst v63  }
0xa8: {  	v3 =	vld [tilespmem:$0x50];
	_ =	sdelay $0x4  }
0xa9: {  	v13 =	vshll.u32 v3, $0x1  }
0xaa: {  	v3 =	vand.u32 $0x7, v3;
	v4 =	vand.u32 $0xFFFFFFF0, v13  }
0xab: {  	v3 =	vor.u32 v3, v4  }
0xac: {  	v4 =	vperm.xlane v3, v0;
	_ =	sdelay $0x1  }
0xad: {  	v3 =	vperm.xlane v3, v2;
	v4 =	vadd.s32 v1, v4;
	_ =	sdelay $0x1  }
0xae: {  	v3 =	vadd.s32 v1, v3;
	_ =	sdelay $0x1  }
0xaf: {  	s20 =	simm.s32 $0xD080  }
0xb0: {  	[tilespmem:s20], [sflag:$0x2] =	stream.indirect_vreg.gather [hbm4b:s4+s3], $0x80, v4, vm0, $0xb8;
	[tilespmem:$0x10080] =	vst v63  }
0xb1: {  	s21 =	simm.s32 $0xD880  }
0xb2: {  	[tilespmem:s21], [sflag:$0x2] =	stream.indirect_vreg.gather [hbm4b:s4+s3], $0x80, v3, vm0, $0xb8;
	[tilespmem:$0x10080] =	vst v63  }
0xb3: {  	v3 =	vld [tilespmem:$0x60];
	_ =	sdelay $0x4  }
0xb4: {  	v14 =	vshll.u32 v3, $0x1  }
0xb5: {  	v3 =	vand.u32 $0x7, v3;
	v4 =	vand.u32 $0xFFFFFFF0, v14  }
0xb6: {  	v3 =	vor.u32 v3, v4  }
0xb7: {  	v4 =	vperm.xlane v3, v0;
	_ =	sdelay $0x1  }
0xb8: {  	v3 =	vperm.xlane v3, v2;
	v4 =	vadd.s32 v1, v4;
	_ =	sdelay $0x1  }
0xb9: {  	v3 =	vadd.s32 v1, v3;
	_ =	sdelay $0x1  }
0xba: {  	s26 =	simm.s32 $0xE080  }
0xbb: {  	[tilespmem:s26], [sflag:$0x2] =	stream.indirect_vreg.gather [hbm4b:s4+s3], $0x80, v4, vm0, $0xb8;
	[tilespmem:$0x10080] =	vst v63  }
0xbc: {  	s29 =	simm.s32 $0xE880  }
0xbd: {  	[tilespmem:s29], [sflag:$0x2] =	stream.indirect_vreg.gather [hbm4b:s4+s3], $0x80, v3, vm0, $0xb8;
	[tilespmem:$0x10080] =	vst v63  }
0xbe: {  	v3 =	vld [tilespmem:$0x70];
	_ =	sdelay $0x4  }
0xbf: {  	v15 =	vshll.u32 v3, $0x1  }
0xc0: {  	v3 =	vand.u32 $0x7, v3;
	v4 =	vand.u32 $0xFFFFFFF0, v15  }
0xc1: {  	v3 =	vor.u32 v3, v4  }
0xc2: {  	v4 =	vperm.xlane v3, v0;
	_ =	sdelay $0x1  }
0xc3: {  	v3 =	vperm.xlane v3, v2;
	v4 =	vadd.s32 v1, v4;
	_ =	sdelay $0x1  }
0xc4: {  	v3 =	vadd.s32 v1, v3;
	_ =	sdelay $0x1  }
0xc5: {  	s31 =	simm.s32 $0xF080  }
0xc6: {  	[tilespmem:s31], [sflag:$0x2] =	stream.indirect_vreg.gather [hbm4b:s4+s3], $0x80, v4, vm0, $0xb8;
	[tilespmem:$0x10080] =	vst v63  }
0xc7: {  	s0 =	simm.s32 $0xF880  }
0xc8: {  	[tilespmem:s0], [sflag:$0x2] =	stream.indirect_vreg.gather [hbm4b:s4+s3], $0x80, v3, vm0, $0xb8;
	[tilespmem:$0x10080] =	vst v63  }
0xc9: {  	_ =	swait.ge [sflag:s14], $0x8000  }
0xca: {  	[sflag:s14] =	ssyncset.done $0x0  }
0xcb: {  	[sflag:s14] =	ssyncadd.s32 $0xFFFF8000  }
0xcc: {  	_ =	swait.ge [sflag:s15], $0x8000  }
0xcd: {  	[sflag:s15] =	ssyncset.done $0x0  }
0xce: {  	s12 =	rddreg [dreg:$0x6];
	[sflag:s15] =	ssyncadd.s32 $0xFFFF8000  }
0xcf: {  	[hbm4b:s12+s3] =	stream.linear.scatter [tilespmem:s30], [sflag:$0x3], $0x8000, $0x38;
	[tilespmem:$0x10080] =	vst v63  }
0xd0: {  	_ =	swait.ge [sflag:s6], $0x8000  }
0xd1: {  	[sflag:s6] =	ssyncset.done $0x0  }
0xd2: {  	s17 =	rddreg [dreg:$0x7];
	[sflag:s6] =	ssyncadd.s32 $0xFFFF8000  }
0xd3: {  	[hbm4b:s17+s3] =	stream.linear.scatter [tilespmem:s23], [sflag:$0x3], $0x8000, $0x38;
	[tilespmem:$0x10080] =	vst v63  }
0xd4: {  	_ =	swait.ge [sflag:s6], $0x8000  }
0xd5: {  	[sflag:s6] =	ssyncset.done $0x0  }
0xd6: {  	s21 =	rddreg [dreg:$0x8];
	[sflag:s6] =	ssyncadd.s32 $0xFFFF8000  }
0xd7: {  	[tilespmem:s3], [sflag:$0x3] =	stream.linear.gather [hbm4b:s21+s3], $0x80, $0x38;
	[tilespmem:$0x10080] =	vst v63  }
0xd8: {  	_ =	swait.ge [sflag:s6], $0x80  }
0xd9: {  	[sflag:s6] =	ssyncset.done $0x0  }
0xda: {  	[sflag:s6] =	ssyncadd.s32 $0xFFFFFF80  }
0xdb: {  	v3 =	vld [tilespmem:$0x0];
	_ =	sdelay $0x4  }
0xdc: {  	v16 =	vshll.u32 v3, $0x1  }
0xdd: {  	v3 =	vand.u32 $0x7, v3;
	v4 =	vand.u32 $0xFFFFFFF0, v16  }
0xde: {  	v3 =	vor.u32 v3, v4  }
0xdf: {  	v4 =	vperm.xlane v3, v0;
	_ =	sdelay $0x1  }
0xe0: {  	v3 =	vperm.xlane v3, v2;
	v4 =	vadd.s32 v1, v4;
	_ =	sdelay $0x1  }
0xe1: {  	v3 =	vadd.s32 v1, v3;
	_ =	sdelay $0x2  }
0xe2: {  	[tilespmem:s30], [sflag:$0x1] =	stream.indirect_vreg.gather [hbm4b:s1+s3], $0x80, v4, vm0, $0xb8;
	[tilespmem:$0x10080] =	vst v63  }
0xe3: {  	s7 =	simm.s32 $0x880  }
0xe4: {  	[tilespmem:s7], [sflag:$0x1] =	stream.indirect_vreg.gather [hbm4b:s1+s3], $0x80, v3, vm0, $0xb8;
	[tilespmem:$0x10080] =	vst v63  }
0xe5: {  	v3 =	vld [tilespmem:$0x10];
	_ =	sdelay $0x4  }
0xe6: {  	v17 =	vshll.u32 v3, $0x1  }
0xe7: {  	v3 =	vand.u32 $0x7, v3;
	v4 =	vand.u32 $0xFFFFFFF0, v17  }
0xe8: {  	v3 =	vor.u32 v3, v4  }
0xe9: {  	v4 =	vperm.xlane v3, v0;
	_ =	sdelay $0x1  }
0xea: {  	v3 =	vperm.xlane v3, v2;
	v4 =	vadd.s32 v1, v4;
	_ =	sdelay $0x1  }
0xeb: {  	v3 =	vadd.s32 v1, v3;
	_ =	sdelay $0x1  }
0xec: {  	s2 =	simm.s32 $0x1080  }
0xed: {  	[tilespmem:s2], [sflag:$0x1] =	stream.indirect_vreg.gather [hbm4b:s1+s3], $0x80, v4, vm0, $0xb8;
	[tilespmem:$0x10080] =	vst v63  }
0xee: {  	s8 =	simm.s32 $0x1880  }
0xef: {  	[tilespmem:s8], [sflag:$0x1] =	stream.indirect_vreg.gather [hbm4b:s1+s3], $0x80, v3, vm0, $0xb8;
	[tilespmem:$0x10080] =	vst v63  }
0xf0: {  	v3 =	vld [tilespmem:$0x20];
	_ =	sdelay $0x4  }
0xf1: {  	v18 =	vshll.u32 v3, $0x1  }
0xf2: {  	v3 =	vand.u32 $0x7, v3;
	v4 =	vand.u32 $0xFFFFFFF0, v18  }
0xf3: {  	v3 =	vor.u32 v3, v4  }
0xf4: {  	v4 =	vperm.xlane v3, v0;
	_ =	sdelay $0x1  }
0xf5: {  	v3 =	vperm.xlane v3, v2;
	v4 =	vadd.s32 v1, v4;
	_ =	sdelay $0x1  }
0xf6: {  	v3 =	vadd.s32 v1, v3;
	_ =	sdelay $0x1  }
0xf7: {  	s7 =	simm.s32 $0x2080  }
0xf8: {  	[tilespmem:s7], [sflag:$0x1] =	stream.indirect_vreg.gather [hbm4b:s1+s3], $0x80, v4, vm0, $0xb8;
	[tilespmem:$0x10080] =	vst v63  }
0xf9: {  	s11 =	simm.s32 $0x2880  }
0xfa: {  	[tilespmem:s11], [sflag:$0x1] =	stream.indirect_vreg.gather [hbm4b:s1+s3], $0x80, v3, vm0, $0xb8;
	[tilespmem:$0x10080] =	vst v63  }
0xfb: {  	v3 =	vld [tilespmem:$0x30];
	_ =	sdelay $0x4  }
0xfc: {  	v19 =	vshll.u32 v3, $0x1  }
0xfd: {  	v3 =	vand.u32 $0x7, v3;
	v4 =	vand.u32 $0xFFFFFFF0, v19  }
0xfe: {  	v3 =	vor.u32 v3, v4  }
0xff: {  	v4 =	vperm.xlane v3, v0;
	_ =	sdelay $0x1  }
0x100: {  	v3 =	vperm.xlane v3, v2;
	v4 =	vadd.s32 v1, v4;
	_ =	sdelay $0x1  }
0x101: {  	v3 =	vadd.s32 v1, v3;
	_ =	sdelay $0x1  }
0x102: {  	s8 =	simm.s32 $0x3080  }
0x103: {  	[tilespmem:s8], [sflag:$0x1] =	stream.indirect_vreg.gather [hbm4b:s1+s3], $0x80, v4, vm0, $0xb8;
	[tilespmem:$0x10080] =	vst v63  }
0x104: {  	s12 =	simm.s32 $0x3880  }
0x105: {  	[tilespmem:s12], [sflag:$0x1] =	stream.indirect_vreg.gather [hbm4b:s1+s3], $0x80, v3, vm0, $0xb8;
	[tilespmem:$0x10080] =	vst v63  }
0x106: {  	v3 =	vld [tilespmem:$0x40];
	_ =	sdelay $0x4  }
0x107: {  	v20 =	vshll.u32 v3, $0x1  }
0x108: {  	v3 =	vand.u32 $0x7, v3;
	v4 =	vand.u32 $0xFFFFFFF0, v20  }
0x109: {  	v3 =	vor.u32 v3, v4  }
0x10a: {  	v4 =	vperm.xlane v3, v0;
	_ =	sdelay $0x1  }
0x10b: {  	v3 =	vperm.xlane v3, v2;
	v4 =	vadd.s32 v1, v4;
	_ =	sdelay $0x1  }
0x10c: {  	v3 =	vadd.s32 v1, v3;
	_ =	sdelay $0x1  }
0x10d: {  	s9 =	simm.s32 $0x4080  }
0x10e: {  	[tilespmem:s9], [sflag:$0x1] =	stream.indirect_vreg.gather [hbm4b:s1+s3], $0x80, v4, vm0, $0xb8;
	[tilespmem:$0x10080] =	vst v63  }
0x10f: {  	s21 =	simm.s32 $0x4880  }
0x110: {  	[tilespmem:s21], [sflag:$0x1] =	stream.indirect_vreg.gather [hbm4b:s1+s3], $0x80, v3, vm0, $0xb8;
	[tilespmem:$0x10080] =	vst v63  }
0x111: {  	v3 =	vld [tilespmem:$0x50];
	_ =	sdelay $0x4  }
0x112: {  	v21 =	vshll.u32 v3, $0x1  }
0x113: {  	v3 =	vand.u32 $0x7, v3;
	v4 =	vand.u32 $0xFFFFFFF0, v21  }
0x114: {  	v3 =	vor.u32 v3, v4  }
0x115: {  	v4 =	vperm.xlane v3, v0;
	_ =	sdelay $0x1  }
0x116: {  	v3 =	vperm.xlane v3, v2;
	v4 =	vadd.s32 v1, v4;
	_ =	sdelay $0x1  }
0x117: {  	v3 =	vadd.s32 v1, v3;
	_ =	sdelay $0x1  }
0x118: {  	s10 =	simm.s32 $0x5080  }
0x119: {  	[tilespmem:s10], [sflag:$0x1] =	stream.indirect_vreg.gather [hbm4b:s1+s3], $0x80, v4, vm0, $0xb8;
	[tilespmem:$0x10080] =	vst v63  }
0x11a: {  	s13 =	simm.s32 $0x5880  }
0x11b: {  	[tilespmem:s13], [sflag:$0x1] =	stream.indirect_vreg.gather [hbm4b:s1+s3], $0x80, v3, vm0, $0xb8;
	[tilespmem:$0x10080] =	vst v63  }
0x11c: {  	v3 =	vld [tilespmem:$0x60];
	_ =	sdelay $0x4  }
0x11d: {  	v22 =	vshll.u32 v3, $0x1  }
0x11e: {  	v3 =	vand.u32 $0x7, v3;
	v4 =	vand.u32 $0xFFFFFFF0, v22  }
0x11f: {  	v3 =	vor.u32 v3, v4  }
0x120: {  	v4 =	vperm.xlane v3, v0;
	_ =	sdelay $0x1  }
0x121: {  	v3 =	vperm.xlane v3, v2;
	v4 =	vadd.s32 v1, v4;
	_ =	sdelay $0x1  }
0x122: {  	v3 =	vadd.s32 v1, v3;
	_ =	sdelay $0x1  }
0x123: {  	s13 =	simm.s32 $0x6080  }
0x124: {  	[tilespmem:s13], [sflag:$0x1] =	stream.indirect_vreg.gather [hbm4b:s1+s3], $0x80, v4, vm0, $0xb8;
	[tilespmem:$0x10080] =	vst v63  }
0x125: {  	s17 =	simm.s32 $0x6880  }
0x126: {  	[tilespmem:s17], [sflag:$0x1] =	stream.indirect_vreg.gather [hbm4b:s1+s3], $0x80, v3, vm0, $0xb8;
	[tilespmem:$0x10080] =	vst v63  }
0x127: {  	v3 =	vld [tilespmem:$0x70];
	_ =	sdelay $0x4  }
0x128: {  	v23 =	vshll.u32 v3, $0x1  }
0x129: {  	v3 =	vand.u32 $0x7, v3;
	v4 =	vand.u32 $0xFFFFFFF0, v23  }
0x12a: {  	v3 =	vor.u32 v3, v4  }
0x12b: {  	v4 =	vperm.xlane v3, v0;
	_ =	sdelay $0x1  }
0x12c: {  	v3 =	vperm.xlane v3, v2;
	v4 =	vadd.s32 v1, v4;
	_ =	sdelay $0x1  }
0x12d: {  	v3 =	vadd.s32 v1, v3;
	_ =	sdelay $0x1  }
0x12e: {  	s0 =	simm.s32 $0x7080  }
0x12f: {  	[tilespmem:s0], [sflag:$0x1] =	stream.indirect_vreg.gather [hbm4b:s1+s3], $0x80, v4, vm0, $0xb8;
	[tilespmem:$0x10080] =	vst v63  }
0x130: {  	s9 =	simm.s32 $0x7880  }
0x131: {  	[tilespmem:s9], [sflag:$0x1] =	stream.indirect_vreg.gather [hbm4b:s1+s3], $0x80, v3, vm0, $0xb8;
	[tilespmem:$0x10080] =	vst v63  }
0x132: {  	v3 =	vld [tilespmem:$0x0];
	_ =	sdelay $0x4  }
0x133: {  	v24 =	vshll.u32 v3, $0x1  }
0x134: {  	v3 =	vand.u32 $0x7, v3;
	v4 =	vand.u32 $0xFFFFFFF0, v24  }
0x135: {  	v3 =	vor.u32 v3, v4  }
0x136: {  	v4 =	vperm.xlane v3, v0;
	_ =	sdelay $0x1  }
0x137: {  	v3 =	vperm.xlane v3, v2;
	v4 =	vadd.s32 v1, v4;
	_ =	sdelay $0x1  }
0x138: {  	v3 =	vadd.s32 v1, v3;
	_ =	sdelay $0x2  }
0x139: {  	[tilespmem:s23], [sflag:$0x2] =	stream.indirect_vreg.gather [hbm4b:s4+s3], $0x80, v4, vm0, $0xb8;
	[tilespmem:$0x10080] =	vst v63  }
0x13a: {  	s10 =	simm.s32 $0x8880  }
0x13b: {  	[tilespmem:s10], [sflag:$0x2] =	stream.indirect_vreg.gather [hbm4b:s4+s3], $0x80, v3, vm0, $0xb8;
	[tilespmem:$0x10080] =	vst v63  }
0x13c: {  	v3 =	vld [tilespmem:$0x10];
	_ =	sdelay $0x4  }
0x13d: {  	v25 =	vshll.u32 v3, $0x1  }
0x13e: {  	v3 =	vand.u32 $0x7, v3;
	v4 =	vand.u32 $0xFFFFFFF0, v25  }
0x13f: {  	v3 =	vor.u32 v3, v4  }
0x140: {  	v4 =	vperm.xlane v3, v0;
	_ =	sdelay $0x1  }
0x141: {  	v3 =	vperm.xlane v3, v2;
	v4 =	vadd.s32 v1, v4;
	_ =	sdelay $0x1  }
0x142: {  	v3 =	vadd.s32 v1, v3;
	_ =	sdelay $0x1  }
0x143: {  	s2 =	simm.s32 $0x9080  }
0x144: {  	[tilespmem:s2], [sflag:$0x2] =	stream.indirect_vreg.gather [hbm4b:s4+s3], $0x80, v4, vm0, $0xb8;
	[tilespmem:$0x10080] =	vst v63  }
0x145: {  	s11 =	simm.s32 $0x9880  }
0x146: {  	[tilespmem:s11], [sflag:$0x2] =	stream.indirect_vreg.gather [hbm4b:s4+s3], $0x80, v3, vm0, $0xb8;
	[tilespmem:$0x10080] =	vst v63  }
0x147: {  	v3 =	vld [tilespmem:$0x20];
	_ =	sdelay $0x4  }
0x148: {  	v26 =	vshll.u32 v3, $0x1  }
0x149: {  	v3 =	vand.u32 $0x7, v3;
	v4 =	vand.u32 $0xFFFFFFF0, v26  }
0x14a: {  	v3 =	vor.u32 v3, v4  }
0x14b: {  	v4 =	vperm.xlane v3, v0;
	_ =	sdelay $0x1  }
0x14c: {  	v3 =	vperm.xlane v3, v2;
	v4 =	vadd.s32 v1, v4;
	_ =	sdelay $0x1  }
0x14d: {  	v3 =	vadd.s32 v1, v3;
	_ =	sdelay $0x1  }
0x14e: {  	s22 =	simm.s32 $0xA080  }
0x14f: {  	[tilespmem:s22], [sflag:$0x2] =	stream.indirect_vreg.gather [hbm4b:s4+s3], $0x80, v4, vm0, $0xb8;
	[tilespmem:$0x10080] =	vst v63  }
0x150: {  	s22 =	simm.s32 $0xA880  }
0x151: {  	[tilespmem:s22], [sflag:$0x2] =	stream.indirect_vreg.gather [hbm4b:s4+s3], $0x80, v3, vm0, $0xb8;
	[tilespmem:$0x10080] =	vst v63  }
0x152: {  	v3 =	vld [tilespmem:$0x30];
	_ =	sdelay $0x4  }
0x153: {  	v27 =	vshll.u32 v3, $0x1  }
0x154: {  	v3 =	vand.u32 $0x7, v3;
	v4 =	vand.u32 $0xFFFFFFF0, v27  }
0x155: {  	v3 =	vor.u32 v3, v4  }
0x156: {  	v4 =	vperm.xlane v3, v0;
	_ =	sdelay $0x1  }
0x157: {  	v3 =	vperm.xlane v3, v2;
	v4 =	vadd.s32 v1, v4;
	_ =	sdelay $0x1  }
0x158: {  	v3 =	vadd.s32 v1, v3;
	_ =	sdelay $0x1  }
0x159: {  	s28 =	simm.s32 $0xB080  }
0x15a: {  	[tilespmem:s28], [sflag:$0x2] =	stream.indirect_vreg.gather [hbm4b:s4+s3], $0x80, v4, vm0, $0xb8;
	[tilespmem:$0x10080] =	vst v63  }
0x15b: {  	s24 =	simm.s32 $0xB880  }
0x15c: {  	[tilespmem:s24], [sflag:$0x2] =	stream.indirect_vreg.gather [hbm4b:s4+s3], $0x80, v3, vm0, $0xb8;
	[tilespmem:$0x10080] =	vst v63  }
0x15d: {  	v3 =	vld [tilespmem:$0x40];
	_ =	sdelay $0x4  }
0x15e: {  	v28 =	vshll.u32 v3, $0x1  }
0x15f: {  	v3 =	vand.u32 $0x7, v3;
	v4 =	vand.u32 $0xFFFFFFF0, v28  }
0x160: {  	v3 =	vor.u32 v3, v4  }
0x161: {  	v4 =	vperm.xlane v3, v0;
	_ =	sdelay $0x1  }
0x162: {  	v3 =	vperm.xlane v3, v2;
	v4 =	vadd.s32 v1, v4;
	_ =	sdelay $0x1  }
0x163: {  	v3 =	vadd.s32 v1, v3;
	_ =	sdelay $0x1  }
0x164: {  	s24 =	simm.s32 $0xC080  }
0x165: {  	[tilespmem:s24], [sflag:$0x2] =	stream.indirect_vreg.gather [hbm4b:s4+s3], $0x80, v4, vm0, $0xb8;
	[tilespmem:$0x10080] =	vst v63  }
0x166: {  	s25 =	simm.s32 $0xC880  }
0x167: {  	[tilespmem:s25], [sflag:$0x2] =	stream.indirect_vreg.gather [hbm4b:s4+s3], $0x80, v3, vm0, $0xb8;
	[tilespmem:$0x10080] =	vst v63  }
0x168: {  	v3 =	vld [tilespmem:$0x50];
	_ =	sdelay $0x4  }
0x169: {  	v29 =	vshll.u32 v3, $0x1  }
0x16a: {  	v3 =	vand.u32 $0x7, v3;
	v4 =	vand.u32 $0xFFFFFFF0, v29  }
0x16b: {  	v3 =	vor.u32 v3, v4  }
0x16c: {  	v4 =	vperm.xlane v3, v0;
	_ =	sdelay $0x1  }
0x16d: {  	v3 =	vperm.xlane v3, v2;
	v4 =	vadd.s32 v1, v4;
	_ =	sdelay $0x1  }
0x16e: {  	v3 =	vadd.s32 v1, v3;
	_ =	sdelay $0x1  }
0x16f: {  	s25 =	simm.s32 $0xD080  }
0x170: {  	[tilespmem:s25], [sflag:$0x2] =	stream.indirect_vreg.gather [hbm4b:s4+s3], $0x80, v4, vm0, $0xb8;
	[tilespmem:$0x10080] =	vst v63  }
0x171: {  	s18 =	simm.s32 $0xD880  }
0x172: {  	[tilespmem:s18], [sflag:$0x2] =	stream.indirect_vreg.gather [hbm4b:s4+s3], $0x80, v3, vm0, $0xb8;
	[tilespmem:$0x10080] =	vst v63  }
0x173: {  	v3 =	vld [tilespmem:$0x60];
	_ =	sdelay $0x4  }
0x174: {  	v30 =	vshll.u32 v3, $0x1  }
0x175: {  	v3 =	vand.u32 $0x7, v3;
	v4 =	vand.u32 $0xFFFFFFF0, v30  }
0x176: {  	v3 =	vor.u32 v3, v4  }
0x177: {  	v4 =	vperm.xlane v3, v0;
	_ =	sdelay $0x1  }
0x178: {  	v3 =	vperm.xlane v3, v2;
	v4 =	vadd.s32 v1, v4;
	_ =	sdelay $0x1  }
0x179: {  	v3 =	vadd.s32 v1, v3;
	_ =	sdelay $0x1  }
0x17a: {  	s18 =	simm.s32 $0xE080  }
0x17b: {  	[tilespmem:s18], [sflag:$0x2] =	stream.indirect_vreg.gather [hbm4b:s4+s3], $0x80, v4, vm0, $0xb8;
	[tilespmem:$0x10080] =	vst v63  }
0x17c: {  	s19 =	simm.s32 $0xE880  }
0x17d: {  	[tilespmem:s19], [sflag:$0x2] =	stream.indirect_vreg.gather [hbm4b:s4+s3], $0x80, v3, vm0, $0xb8;
	[tilespmem:$0x10080] =	vst v63  }
0x17e: {  	v3 =	vld [tilespmem:$0x70];
	_ =	sdelay $0x4  }
0x17f: {  	v31 =	vshll.u32 v3, $0x1  }
0x180: {  	v3 =	vand.u32 $0x7, v3;
	v4 =	vand.u32 $0xFFFFFFF0, v31  }
0x181: {  	v3 =	vor.u32 v3, v4  }
0x182: {  	v4 =	vperm.xlane v3, v0;
	_ =	sdelay $0x1  }
0x183: {  	v3 =	vperm.xlane v3, v2;
	v4 =	vadd.s32 v1, v4;
	_ =	sdelay $0x1  }
0x184: {  	v3 =	vadd.s32 v1, v3;
	_ =	sdelay $0x1  }
0x185: {  	s19 =	simm.s32 $0xF080  }
0x186: {  	[tilespmem:s19], [sflag:$0x2] =	stream.indirect_vreg.gather [hbm4b:s4+s3], $0x80, v4, vm0, $0xb8;
	[tilespmem:$0x10080] =	vst v63  }
0x187: {  	s20 =	simm.s32 $0xF880  }
0x188: {  	[tilespmem:s20], [sflag:$0x2] =	stream.indirect_vreg.gather [hbm4b:s4+s3], $0x80, v3, vm0, $0xb8;
	[tilespmem:$0x10080] =	vst v63  }
0x189: {  	_ =	swait.ge [sflag:s14], $0x8000  }
0x18a: {  	[sflag:s14] =	ssyncset.done $0x0  }
0x18b: {  	[sflag:s14] =	ssyncadd.s32 $0xFFFF8000  }
0x18c: {  	_ =	swait.ge [sflag:s15], $0x8000  }
0x18d: {  	[sflag:s15] =	ssyncset.done $0x0  }
0x18e: {  	s18 =	rddreg [dreg:$0x9];
	[sflag:s15] =	ssyncadd.s32 $0xFFFF8000  }
0x18f: {  	[hbm4b:s18+s3] =	stream.linear.scatter [tilespmem:s30], [sflag:$0x3], $0x8000, $0x38;
	[tilespmem:$0x10080] =	vst v63  }
0x190: {  	_ =	swait.ge [sflag:s6], $0x8000  }
0x191: {  	[sflag:s6] =	ssyncset.done $0x0  }
0x192: {  	s20 =	rddreg [dreg:$0xa];
	[sflag:s6] =	ssyncadd.s32 $0xFFFF8000  }
0x193: {  	[hbm4b:s20+s3] =	stream.linear.scatter [tilespmem:s23], [sflag:$0x3], $0x8000, $0x38;
	[tilespmem:$0x10080] =	vst v63  }
0x194: {  	_ =	swait.ge [sflag:s6], $0x8000  }
0x195: {  	[sflag:s6] =	ssyncset.done $0x0  }
0x196: {  	s18 =	rddreg [dreg:$0xb];
	[sflag:s6] =	ssyncadd.s32 $0xFFFF8000  }
0x197: {  	[tilespmem:s3], [sflag:$0x3] =	stream.linear.gather [hbm4b:s18+s3], $0x80, $0x38;
	[tilespmem:$0x10080] =	vst v63  }
0x198: {  	_ =	swait.ge [sflag:s6], $0x80  }
0x199: {  	[sflag:s6] =	ssyncset.done $0x0  }
0x19a: {  	[sflag:s6] =	ssyncadd.s32 $0xFFFFFF80  }
0x19b: {  	v3 =	vld [tilespmem:$0x0];
	_ =	sdelay $0x4  }
0x19c: {  	v32 =	vshll.u32 v3, $0x1  }
0x19d: {  	v3 =	vand.u32 $0x7, v3;
	v4 =	vand.u32 $0xFFFFFFF0, v32  }
0x19e: {  	v3 =	vor.u32 v3, v4  }
0x19f: {  	v4 =	vperm.xlane v3, v0;
	_ =	sdelay $0x1  }
0x1a0: {  	v3 =	vperm.xlane v3, v2;
	v4 =	vadd.s32 v1, v4;
	_ =	sdelay $0x1  }
0x1a1: {  	v3 =	vadd.s32 v1, v3;
	_ =	sdelay $0x2  }
0x1a2: {  	[tilespmem:s30], [sflag:$0x1] =	stream.indirect_vreg.gather [hbm4b:s1+s3], $0x80, v4, vm0, $0xb8;
	[tilespmem:$0x10080] =	vst v63  }
0x1a3: {  	s20 =	simm.s32 $0x880  }
0x1a4: {  	[tilespmem:s20], [sflag:$0x1] =	stream.indirect_vreg.gather [hbm4b:s1+s3], $0x80, v3, vm0, $0xb8;
	[tilespmem:$0x10080] =	vst v63  }
0x1a5: {  	v3 =	vld [tilespmem:$0x10];
	_ =	sdelay $0x4  }
0x1a6: {  	v33 =	vshll.u32 v3, $0x1  }
0x1a7: {  	v3 =	vand.u32 $0x7, v3;
	v4 =	vand.u32 $0xFFFFFFF0, v33  }
0x1a8: {  	v3 =	vor.u32 v3, v4  }
0x1a9: {  	v4 =	vperm.xlane v3, v0;
	_ =	sdelay $0x1  }
0x1aa: {  	v3 =	vperm.xlane v3, v2;
	v4 =	vadd.s32 v1, v4;
	_ =	sdelay $0x1  }
0x1ab: {  	v3 =	vadd.s32 v1, v3;
	_ =	sdelay $0x1  }
0x1ac: {  	s31 =	simm.s32 $0x1080  }
0x1ad: {  	[tilespmem:s31], [sflag:$0x1] =	stream.indirect_vreg.gather [hbm4b:s1+s3], $0x80, v4, vm0, $0xb8;
	[tilespmem:$0x10080] =	vst v63  }
0x1ae: {  	s18 =	simm.s32 $0x1880  }
0x1af: {  	[tilespmem:s18], [sflag:$0x1] =	stream.indirect_vreg.gather [hbm4b:s1+s3], $0x80, v3, vm0, $0xb8;
	[tilespmem:$0x10080] =	vst v63  }
0x1b0: {  	v3 =	vld [tilespmem:$0x20];
	_ =	sdelay $0x4  }
0x1b1: {  	v34 =	vshll.u32 v3, $0x1  }
0x1b2: {  	v3 =	vand.u32 $0x7, v3;
	v4 =	vand.u32 $0xFFFFFFF0, v34  }
0x1b3: {  	v3 =	vor.u32 v3, v4  }
0x1b4: {  	v4 =	vperm.xlane v3, v0;
	_ =	sdelay $0x1  }
0x1b5: {  	v3 =	vperm.xlane v3, v2;
	v4 =	vadd.s32 v1, v4;
	_ =	sdelay $0x1  }
0x1b6: {  	v3 =	vadd.s32 v1, v3;
	_ =	sdelay $0x2  }
0x1b7: {  	[tilespmem:s7], [sflag:$0x1] =	stream.indirect_vreg.gather [hbm4b:s1+s3], $0x80, v4, vm0, $0xb8;
	[tilespmem:$0x10080] =	vst v63  }
0x1b8: {  	s20 =	simm.s32 $0x2880  }
0x1b9: {  	[tilespmem:s20], [sflag:$0x1] =	stream.indirect_vreg.gather [hbm4b:s1+s3], $0x80, v3, vm0, $0xb8;
	[tilespmem:$0x10080] =	vst v63  }
0x1ba: {  	v3 =	vld [tilespmem:$0x30];
	_ =	sdelay $0x4  }
0x1bb: {  	v35 =	vshll.u32 v3, $0x1  }
0x1bc: {  	v3 =	vand.u32 $0x7, v3;
	v4 =	vand.u32 $0xFFFFFFF0, v35  }
0x1bd: {  	v3 =	vor.u32 v3, v4  }
0x1be: {  	v4 =	vperm.xlane v3, v0;
	_ =	sdelay $0x1  }
0x1bf: {  	v3 =	vperm.xlane v3, v2;
	v4 =	vadd.s32 v1, v4;
	_ =	sdelay $0x1  }
0x1c0: {  	v3 =	vadd.s32 v1, v3;
	_ =	sdelay $0x2  }
0x1c1: {  	[tilespmem:s8], [sflag:$0x1] =	stream.indirect_vreg.gather [hbm4b:s1+s3], $0x80, v4, vm0, $0xb8;
	[tilespmem:$0x10080] =	vst v63  }
0x1c2: {  	_ = 	snop  }
0x1c3: {  	[tilespmem:s12], [sflag:$0x1] =	stream.indirect_vreg.gather [hbm4b:s1+s3], $0x80, v3, vm0, $0xb8;
	[tilespmem:$0x10080] =	vst v63  }
0x1c4: {  	v3 =	vld [tilespmem:$0x40];
	_ =	sdelay $0x4  }
0x1c5: {  	v36 =	vshll.u32 v3, $0x1  }
0x1c6: {  	v3 =	vand.u32 $0x7, v3;
	v4 =	vand.u32 $0xFFFFFFF0, v36  }
0x1c7: {  	v3 =	vor.u32 v3, v4  }
0x1c8: {  	v4 =	vperm.xlane v3, v0;
	_ =	sdelay $0x1  }
0x1c9: {  	v3 =	vperm.xlane v3, v2;
	v4 =	vadd.s32 v1, v4;
	_ =	sdelay $0x1  }
0x1ca: {  	v3 =	vadd.s32 v1, v3;
	_ =	sdelay $0x1  }
0x1cb: {  	s31 =	simm.s32 $0x4080  }
0x1cc: {  	[tilespmem:s31], [sflag:$0x1] =	stream.indirect_vreg.gather [hbm4b:s1+s3], $0x80, v4, vm0, $0xb8;
	[tilespmem:$0x10080] =	vst v63  }
0x1cd: {  	_ = 	snop  }
0x1ce: {  	[tilespmem:s21], [sflag:$0x1] =	stream.indirect_vreg.gather [hbm4b:s1+s3], $0x80, v3, vm0, $0xb8;
	[tilespmem:$0x10080] =	vst v63  }
0x1cf: {  	v3 =	vld [tilespmem:$0x50];
	_ =	sdelay $0x4  }
0x1d0: {  	v37 =	vshll.u32 v3, $0x1  }
0x1d1: {  	v3 =	vand.u32 $0x7, v3;
	v4 =	vand.u32 $0xFFFFFFF0, v37  }
0x1d2: {  	v3 =	vor.u32 v3, v4  }
0x1d3: {  	v4 =	vperm.xlane v3, v0;
	_ =	sdelay $0x1  }
0x1d4: {  	v3 =	vperm.xlane v3, v2;
	v4 =	vadd.s32 v1, v4;
	_ =	sdelay $0x1  }
0x1d5: {  	v3 =	vadd.s32 v1, v3;
	_ =	sdelay $0x1  }
0x1d6: {  	s16 =	simm.s32 $0x5080  }
0x1d7: {  	[tilespmem:s16], [sflag:$0x1] =	stream.indirect_vreg.gather [hbm4b:s1+s3], $0x80, v4, vm0, $0xb8;
	[tilespmem:$0x10080] =	vst v63  }
0x1d8: {  	s18 =	simm.s32 $0x5880  }
0x1d9: {  	[tilespmem:s18], [sflag:$0x1] =	stream.indirect_vreg.gather [hbm4b:s1+s3], $0x80, v3, vm0, $0xb8;
	[tilespmem:$0x10080] =	vst v63  }
0x1da: {  	v3 =	vld [tilespmem:$0x60];
	_ =	sdelay $0x4  }
0x1db: {  	v38 =	vshll.u32 v3, $0x1  }
0x1dc: {  	v3 =	vand.u32 $0x7, v3;
	v4 =	vand.u32 $0xFFFFFFF0, v38  }
0x1dd: {  	v3 =	vor.u32 v3, v4  }
0x1de: {  	v4 =	vperm.xlane v3, v0;
	_ =	sdelay $0x1  }
0x1df: {  	v3 =	vperm.xlane v3, v2;
	v4 =	vadd.s32 v1, v4;
	_ =	sdelay $0x1  }
0x1e0: {  	v3 =	vadd.s32 v1, v3;
	_ =	sdelay $0x2  }
0x1e1: {  	[tilespmem:s13], [sflag:$0x1] =	stream.indirect_vreg.gather [hbm4b:s1+s3], $0x80, v4, vm0, $0xb8;
	[tilespmem:$0x10080] =	vst v63  }
0x1e2: {  	_ = 	snop  }
0x1e3: {  	[tilespmem:s17], [sflag:$0x1] =	stream.indirect_vreg.gather [hbm4b:s1+s3], $0x80, v3, vm0, $0xb8;
	[tilespmem:$0x10080] =	vst v63  }
0x1e4: {  	v3 =	vld [tilespmem:$0x70];
	_ =	sdelay $0x4  }
0x1e5: {  	v39 =	vshll.u32 v3, $0x1  }
0x1e6: {  	v3 =	vand.u32 $0x7, v3;
	v4 =	vand.u32 $0xFFFFFFF0, v39  }
0x1e7: {  	v3 =	vor.u32 v3, v4  }
0x1e8: {  	v4 =	vperm.xlane v3, v0;
	_ =	sdelay $0x1  }
0x1e9: {  	v3 =	vperm.xlane v3, v2;
	v4 =	vadd.s32 v1, v4;
	_ =	sdelay $0x1  }
0x1ea: {  	v3 =	vadd.s32 v1, v3;
	_ =	sdelay $0x2  }
0x1eb: {  	[tilespmem:s0], [sflag:$0x1] =	stream.indirect_vreg.gather [hbm4b:s1+s3], $0x80, v4, vm0, $0xb8;
	[tilespmem:$0x10080] =	vst v63  }
0x1ec: {  	_ = 	snop  }
0x1ed: {  	[tilespmem:s9], [sflag:$0x1] =	stream.indirect_vreg.gather [hbm4b:s1+s3], $0x80, v3, vm0, $0xb8;
	[tilespmem:$0x10080] =	vst v63  }
0x1ee: {  	v3 =	vld [tilespmem:$0x0];
	_ =	sdelay $0x4  }
0x1ef: {  	v40 =	vshll.u32 v3, $0x1  }
0x1f0: {  	v3 =	vand.u32 $0x7, v3;
	v4 =	vand.u32 $0xFFFFFFF0, v40  }
0x1f1: {  	v3 =	vor.u32 v3, v4  }
0x1f2: {  	v4 =	vperm.xlane v3, v0;
	_ =	sdelay $0x1  }
0x1f3: {  	v3 =	vperm.xlane v3, v2;
	v4 =	vadd.s32 v1, v4;
	_ =	sdelay $0x1  }
0x1f4: {  	v3 =	vadd.s32 v1, v3;
	_ =	sdelay $0x2  }
0x1f5: {  	[tilespmem:s23], [sflag:$0x2] =	stream.indirect_vreg.gather [hbm4b:s4+s3], $0x80, v4, vm0, $0xb8;
	[tilespmem:$0x10080] =	vst v63  }
0x1f6: {  	_ = 	snop  }
0x1f7: {  	[tilespmem:s10], [sflag:$0x2] =	stream.indirect_vreg.gather [hbm4b:s4+s3], $0x80, v3, vm0, $0xb8;
	[tilespmem:$0x10080] =	vst v63  }
0x1f8: {  	v3 =	vld [tilespmem:$0x10];
	_ =	sdelay $0x4  }
0x1f9: {  	v41 =	vshll.u32 v3, $0x1  }
0x1fa: {  	v3 =	vand.u32 $0x7, v3;
	v4 =	vand.u32 $0xFFFFFFF0, v41  }
0x1fb: {  	v3 =	vor.u32 v3, v4  }
0x1fc: {  	v4 =	vperm.xlane v3, v0;
	_ =	sdelay $0x1  }
0x1fd: {  	v3 =	vperm.xlane v3, v2;
	v4 =	vadd.s32 v1, v4;
	_ =	sdelay $0x1  }
0x1fe: {  	v3 =	vadd.s32 v1, v3;
	_ =	sdelay $0x2  }
0x1ff: {  	[tilespmem:s2], [sflag:$0x2] =	stream.indirect_vreg.gather [hbm4b:s4+s3], $0x80, v4, vm0, $0xb8;
	[tilespmem:$0x10080] =	vst v63  }
0x200: {  	_ = 	snop  }
0x201: {  	[tilespmem:s11], [sflag:$0x2] =	stream.indirect_vreg.gather [hbm4b:s4+s3], $0x80, v3, vm0, $0xb8;
	[tilespmem:$0x10080] =	vst v63  }
0x202: {  	v3 =	vld [tilespmem:$0x20];
	_ =	sdelay $0x4  }
0x203: {  	v42 =	vshll.u32 v3, $0x1  }
0x204: {  	v3 =	vand.u32 $0x7, v3;
	v4 =	vand.u32 $0xFFFFFFF0, v42  }
0x205: {  	v3 =	vor.u32 v3, v4  }
0x206: {  	v4 =	vperm.xlane v3, v0;
	_ =	sdelay $0x1  }
0x207: {  	v3 =	vperm.xlane v3, v2;
	v4 =	vadd.s32 v1, v4;
	_ =	sdelay $0x1  }
0x208: {  	v3 =	vadd.s32 v1, v3;
	_ =	sdelay $0x1  }
0x209: {  	s26 =	simm.s32 $0xA080  }
0x20a: {  	[tilespmem:s26], [sflag:$0x2] =	stream.indirect_vreg.gather [hbm4b:s4+s3], $0x80, v4, vm0, $0xb8;
	[tilespmem:$0x10080] =	vst v63  }
0x20b: {  	_ = 	snop  }
0x20c: {  	[tilespmem:s22], [sflag:$0x2] =	stream.indirect_vreg.gather [hbm4b:s4+s3], $0x80, v3, vm0, $0xb8;
	[tilespmem:$0x10080] =	vst v63  }
0x20d: {  	v3 =	vld [tilespmem:$0x30];
	_ =	sdelay $0x4  }
0x20e: {  	v43 =	vshll.u32 v3, $0x1  }
0x20f: {  	v3 =	vand.u32 $0x7, v3;
	v4 =	vand.u32 $0xFFFFFFF0, v43  }
0x210: {  	v3 =	vor.u32 v3, v4  }
0x211: {  	v4 =	vperm.xlane v3, v0;
	_ =	sdelay $0x1  }
0x212: {  	v3 =	vperm.xlane v3, v2;
	v4 =	vadd.s32 v1, v4;
	_ =	sdelay $0x1  }
0x213: {  	v3 =	vadd.s32 v1, v3;
	_ =	sdelay $0x1  }
0x214: {  	s29 =	simm.s32 $0xB080  }
0x215: {  	[tilespmem:s29], [sflag:$0x2] =	stream.indirect_vreg.gather [hbm4b:s4+s3], $0x80, v4, vm0, $0xb8;
	[tilespmem:$0x10080] =	vst v63  }
0x216: {  	s28 =	simm.s32 $0xB880  }
0x217: {  	[tilespmem:s28], [sflag:$0x2] =	stream.indirect_vreg.gather [hbm4b:s4+s3], $0x80, v3, vm0, $0xb8;
	[tilespmem:$0x10080] =	vst v63  }
0x218: {  	v3 =	vld [tilespmem:$0x40];
	_ =	sdelay $0x4  }
0x219: {  	v44 =	vshll.u32 v3, $0x1  }
0x21a: {  	v3 =	vand.u32 $0x7, v3;
	v4 =	vand.u32 $0xFFFFFFF0, v44  }
0x21b: {  	v3 =	vor.u32 v3, v4  }
0x21c: {  	v4 =	vperm.xlane v3, v0;
	_ =	sdelay $0x1  }
0x21d: {  	v3 =	vperm.xlane v3, v2;
	v4 =	vadd.s32 v1, v4;
	_ =	sdelay $0x1  }
0x21e: {  	v3 =	vadd.s32 v1, v3;
	_ =	sdelay $0x1  }
0x21f: {  	s24 =	simm.s32 $0xC080  }
0x220: {  	[tilespmem:s24], [sflag:$0x2] =	stream.indirect_vreg.gather [hbm4b:s4+s3], $0x80, v4, vm0, $0xb8;
	[tilespmem:$0x10080] =	vst v63  }
0x221: {  	s24 =	simm.s32 $0xC880  }
0x222: {  	[tilespmem:s24], [sflag:$0x2] =	stream.indirect_vreg.gather [hbm4b:s4+s3], $0x80, v3, vm0, $0xb8;
	[tilespmem:$0x10080] =	vst v63  }
0x223: {  	v3 =	vld [tilespmem:$0x50];
	_ =	sdelay $0x4  }
0x224: {  	v45 =	vshll.u32 v3, $0x1  }
0x225: {  	v3 =	vand.u32 $0x7, v3;
	v4 =	vand.u32 $0xFFFFFFF0, v45  }
0x226: {  	v3 =	vor.u32 v3, v4  }
0x227: {  	v4 =	vperm.xlane v3, v0;
	_ =	sdelay $0x1  }
0x228: {  	v3 =	vperm.xlane v3, v2;
	v4 =	vadd.s32 v1, v4;
	_ =	sdelay $0x1  }
0x229: {  	v3 =	vadd.s32 v1, v3;
	_ =	sdelay $0x1  }
0x22a: {  	s25 =	simm.s32 $0xD080  }
0x22b: {  	[tilespmem:s25], [sflag:$0x2] =	stream.indirect_vreg.gather [hbm4b:s4+s3], $0x80, v4, vm0, $0xb8;
	[tilespmem:$0x10080] =	vst v63  }
0x22c: {  	s28 =	simm.s32 $0xD880  }
0x22d: {  	[tilespmem:s28], [sflag:$0x2] =	stream.indirect_vreg.gather [hbm4b:s4+s3], $0x80, v3, vm0, $0xb8;
	[tilespmem:$0x10080] =	vst v63  }
0x22e: {  	v3 =	vld [tilespmem:$0x60];
	_ =	sdelay $0x4  }
0x22f: {  	v46 =	vshll.u32 v3, $0x1  }
0x230: {  	v3 =	vand.u32 $0x7, v3;
	v4 =	vand.u32 $0xFFFFFFF0, v46  }
0x231: {  	v3 =	vor.u32 v3, v4  }
0x232: {  	v4 =	vperm.xlane v3, v0;
	_ =	sdelay $0x1  }
0x233: {  	v3 =	vperm.xlane v3, v2;
	v4 =	vadd.s32 v1, v4;
	_ =	sdelay $0x1  }
0x234: {  	v3 =	vadd.s32 v1, v3;
	_ =	sdelay $0x1  }
0x235: {  	s25 =	simm.s32 $0xE080  }
0x236: {  	[tilespmem:s25], [sflag:$0x2] =	stream.indirect_vreg.gather [hbm4b:s4+s3], $0x80, v4, vm0, $0xb8;
	[tilespmem:$0x10080] =	vst v63  }
0x237: {  	s28 =	simm.s32 $0xE880  }
0x238: {  	[tilespmem:s28], [sflag:$0x2] =	stream.indirect_vreg.gather [hbm4b:s4+s3], $0x80, v3, vm0, $0xb8;
	[tilespmem:$0x10080] =	vst v63  }
0x239: {  	v3 =	vld [tilespmem:$0x70];
	_ =	sdelay $0x4  }
0x23a: {  	v47 =	vshll.u32 v3, $0x1  }
0x23b: {  	v3 =	vand.u32 $0x7, v3;
	v4 =	vand.u32 $0xFFFFFFF0, v47  }
0x23c: {  	v3 =	vor.u32 v3, v4  }
0x23d: {  	v4 =	vperm.xlane v3, v0;
	_ =	sdelay $0x1  }
0x23e: {  	v3 =	vperm.xlane v3, v2;
	v4 =	vadd.s32 v1, v4;
	_ =	sdelay $0x1  }
0x23f: {  	v3 =	vadd.s32 v1, v3;
	_ =	sdelay $0x1  }
0x240: {  	s19 =	simm.s32 $0xF080  }
0x241: {  	[tilespmem:s19], [sflag:$0x2] =	stream.indirect_vreg.gather [hbm4b:s4+s3], $0x80, v4, vm0, $0xb8;
	[tilespmem:$0x10080] =	vst v63  }
0x242: {  	s19 =	simm.s32 $0xF880  }
0x243: {  	[tilespmem:s19], [sflag:$0x2] =	stream.indirect_vreg.gather [hbm4b:s4+s3], $0x80, v3, vm0, $0xb8;
	[tilespmem:$0x10080] =	vst v63  }
0x244: {  	_ =	swait.ge [sflag:s14], $0x8000  }
0x245: {  	[sflag:s14] =	ssyncset.done $0x0  }
0x246: {  	[sflag:s14] =	ssyncadd.s32 $0xFFFF8000  }
0x247: {  	_ =	swait.ge [sflag:s15], $0x8000  }
0x248: {  	[sflag:s15] =	ssyncset.done $0x0  }
0x249: {  	s16 =	rddreg [dreg:$0xc];
	[sflag:s15] =	ssyncadd.s32 $0xFFFF8000  }
0x24a: {  	[hbm4b:s16+s3] =	stream.linear.scatter [tilespmem:s30], [sflag:$0x3], $0x8000, $0x38;
	[tilespmem:$0x10080] =	vst v63  }
0x24b: {  	_ =	swait.ge [sflag:s6], $0x8000  }
0x24c: {  	[sflag:s6] =	ssyncset.done $0x0  }
0x24d: {  	s16 =	rddreg [dreg:$0xd];
	[sflag:s6] =	ssyncadd.s32 $0xFFFF8000  }
0x24e: {  	[hbm4b:s16+s3] =	stream.linear.scatter [tilespmem:s23], [sflag:$0x3], $0x8000, $0x38;
	[tilespmem:$0x10080] =	vst v63  }
0x24f: {  	_ =	swait.ge [sflag:s6], $0x8000  }
0x250: {  	[sflag:s6] =	ssyncset.done $0x0  }
0x251: {  	s16 =	rddreg [dreg:$0xe];
	[sflag:s6] =	ssyncadd.s32 $0xFFFF8000  }
0x252: {  	[tilespmem:s3], [sflag:$0x3] =	stream.linear.gather [hbm4b:s16+s3], $0x80, $0x38;
	[tilespmem:$0x10080] =	vst v63  }
0x253: {  	_ =	swait.ge [sflag:s6], $0x80  }
0x254: {  	[sflag:s6] =	ssyncset.done $0x0  }
0x255: {  	[sflag:s6] =	ssyncadd.s32 $0xFFFFFF80  }
0x256: {  	v3 =	vld [tilespmem:$0x0];
	_ =	sdelay $0x4  }
0x257: {  	v48 =	vshll.u32 v3, $0x1  }
0x258: {  	v3 =	vand.u32 $0x7, v3;
	v4 =	vand.u32 $0xFFFFFFF0, v48  }
0x259: {  	v3 =	vor.u32 v3, v4  }
0x25a: {  	v4 =	vperm.xlane v3, v0;
	_ =	sdelay $0x1  }
0x25b: {  	v3 =	vperm.xlane v3, v2;
	v4 =	vadd.s32 v1, v4;
	_ =	sdelay $0x1  }
0x25c: {  	v3 =	vadd.s32 v1, v3;
	_ =	sdelay $0x2  }
0x25d: {  	[tilespmem:s30], [sflag:$0x1] =	stream.indirect_vreg.gather [hbm4b:s1+s3], $0x80, v4, vm0, $0xb8;
	[tilespmem:$0x10080] =	vst v63  }
0x25e: {  	s16 =	simm.s32 $0x880  }
0x25f: {  	[tilespmem:s16], [sflag:$0x1] =	stream.indirect_vreg.gather [hbm4b:s1+s3], $0x80, v3, vm0, $0xb8;
	[tilespmem:$0x10080] =	vst v63  }
0x260: {  	v3 =	vld [tilespmem:$0x10];
	_ =	sdelay $0x4  }
0x261: {  	v49 =	vshll.u32 v3, $0x1  }
0x262: {  	v3 =	vand.u32 $0x7, v3;
	v4 =	vand.u32 $0xFFFFFFF0, v49  }
0x263: {  	v3 =	vor.u32 v3, v4  }
0x264: {  	v4 =	vperm.xlane v3, v0;
	_ =	sdelay $0x1  }
0x265: {  	v3 =	vperm.xlane v3, v2;
	v4 =	vadd.s32 v1, v4;
	_ =	sdelay $0x1  }
0x266: {  	v3 =	vadd.s32 v1, v3;
	_ =	sdelay $0x1  }
0x267: {  	s16 =	simm.s32 $0x1080  }
0x268: {  	[tilespmem:s16], [sflag:$0x1] =	stream.indirect_vreg.gather [hbm4b:s1+s3], $0x80, v4, vm0, $0xb8;
	[tilespmem:$0x10080] =	vst v63  }
0x269: {  	s16 =	simm.s32 $0x1880  }
0x26a: {  	[tilespmem:s16], [sflag:$0x1] =	stream.indirect_vreg.gather [hbm4b:s1+s3], $0x80, v3, vm0, $0xb8;
	[tilespmem:$0x10080] =	vst v63  }
0x26b: {  	v3 =	vld [tilespmem:$0x20];
	_ =	sdelay $0x4  }
0x26c: {  	v50 =	vshll.u32 v3, $0x1  }
0x26d: {  	v3 =	vand.u32 $0x7, v3;
	v4 =	vand.u32 $0xFFFFFFF0, v50  }
0x26e: {  	v3 =	vor.u32 v3, v4  }
0x26f: {  	v4 =	vperm.xlane v3, v0;
	_ =	sdelay $0x1  }
0x270: {  	v3 =	vperm.xlane v3, v2;
	v4 =	vadd.s32 v1, v4;
	_ =	sdelay $0x1  }
0x271: {  	v3 =	vadd.s32 v1, v3;
	_ =	sdelay $0x1  }
0x272: {  	s7 =	simm.s32 $0x2080  }
0x273: {  	[tilespmem:s7], [sflag:$0x1] =	stream.indirect_vreg.gather [hbm4b:s1+s3], $0x80, v4, vm0, $0xb8;
	[tilespmem:$0x10080] =	vst v63  }
0x274: {  	s16 =	simm.s32 $0x2880  }
0x275: {  	[tilespmem:s16], [sflag:$0x1] =	stream.indirect_vreg.gather [hbm4b:s1+s3], $0x80, v3, vm0, $0xb8;
	[tilespmem:$0x10080] =	vst v63  }
0x276: {  	v3 =	vld [tilespmem:$0x30];
	_ =	sdelay $0x4  }
0x277: {  	v51 =	vshll.u32 v3, $0x1  }
0x278: {  	v3 =	vand.u32 $0x7, v3;
	v4 =	vand.u32 $0xFFFFFFF0, v51  }
0x279: {  	v3 =	vor.u32 v3, v4  }
0x27a: {  	v4 =	vperm.xlane v3, v0;
	_ =	sdelay $0x1  }
0x27b: {  	v3 =	vperm.xlane v3, v2;
	v4 =	vadd.s32 v1, v4;
	_ =	sdelay $0x1  }
0x27c: {  	v3 =	vadd.s32 v1, v3;
	_ =	sdelay $0x1  }
0x27d: {  	s8 =	simm.s32 $0x3080  }
0x27e: {  	[tilespmem:s8], [sflag:$0x1] =	stream.indirect_vreg.gather [hbm4b:s1+s3], $0x80, v4, vm0, $0xb8;
	[tilespmem:$0x10080] =	vst v63  }
0x27f: {  	s20 =	simm.s32 $0x3880  }
0x280: {  	[tilespmem:s20], [sflag:$0x1] =	stream.indirect_vreg.gather [hbm4b:s1+s3], $0x80, v3, vm0, $0xb8;
	[tilespmem:$0x10080] =	vst v63  }
0x281: {  	v3 =	vld [tilespmem:$0x40];
	_ =	sdelay $0x4  }
0x282: {  	v52 =	vshll.u32 v3, $0x1  }
0x283: {  	v3 =	vand.u32 $0x7, v3;
	v4 =	vand.u32 $0xFFFFFFF0, v52  }
0x284: {  	v3 =	vor.u32 v3, v4  }
0x285: {  	v4 =	vperm.xlane v3, v0;
	_ =	sdelay $0x1  }
0x286: {  	v3 =	vperm.xlane v3, v2;
	v4 =	vadd.s32 v1, v4;
	_ =	sdelay $0x1  }
0x287: {  	v3 =	vadd.s32 v1, v3;
	_ =	sdelay $0x1  }
0x288: {  	s16 =	simm.s32 $0x4080  }
0x289: {  	[tilespmem:s16], [sflag:$0x1] =	stream.indirect_vreg.gather [hbm4b:s1+s3], $0x80, v4, vm0, $0xb8;
	[tilespmem:$0x10080] =	vst v63  }
0x28a: {  	s21 =	simm.s32 $0x4880  }
0x28b: {  	[tilespmem:s21], [sflag:$0x1] =	stream.indirect_vreg.gather [hbm4b:s1+s3], $0x80, v3, vm0, $0xb8;
	[tilespmem:$0x10080] =	vst v63  }
0x28c: {  	v3 =	vld [tilespmem:$0x50];
	_ =	sdelay $0x4  }
0x28d: {  	v53 =	vshll.u32 v3, $0x1  }
0x28e: {  	v3 =	vand.u32 $0x7, v3;
	v4 =	vand.u32 $0xFFFFFFF0, v53  }
0x28f: {  	v3 =	vor.u32 v3, v4  }
0x290: {  	v4 =	vperm.xlane v3, v0;
	_ =	sdelay $0x1  }
0x291: {  	v3 =	vperm.xlane v3, v2;
	v4 =	vadd.s32 v1, v4;
	_ =	sdelay $0x1  }
0x292: {  	v3 =	vadd.s32 v1, v3;
	_ =	sdelay $0x1  }
0x293: {  	s20 =	simm.s32 $0x5080  }
0x294: {  	[tilespmem:s20], [sflag:$0x1] =	stream.indirect_vreg.gather [hbm4b:s1+s3], $0x80, v4, vm0, $0xb8;
	[tilespmem:$0x10080] =	vst v63  }
0x295: {  	s21 =	simm.s32 $0x5880  }
0x296: {  	[tilespmem:s21], [sflag:$0x1] =	stream.indirect_vreg.gather [hbm4b:s1+s3], $0x80, v3, vm0, $0xb8;
	[tilespmem:$0x10080] =	vst v63  }
0x297: {  	v3 =	vld [tilespmem:$0x60];
	_ =	sdelay $0x4  }
0x298: {  	v54 =	vshll.u32 v3, $0x1  }
0x299: {  	v3 =	vand.u32 $0x7, v3;
	v4 =	vand.u32 $0xFFFFFFF0, v54  }
0x29a: {  	v3 =	vor.u32 v3, v4  }
0x29b: {  	v4 =	vperm.xlane v3, v0;
	_ =	sdelay $0x1  }
0x29c: {  	v3 =	vperm.xlane v3, v2;
	v4 =	vadd.s32 v1, v4;
	_ =	sdelay $0x1  }
0x29d: {  	v3 =	vadd.s32 v1, v3;
	_ =	sdelay $0x1  }
0x29e: {  	s13 =	simm.s32 $0x6080  }
0x29f: {  	[tilespmem:s13], [sflag:$0x1] =	stream.indirect_vreg.gather [hbm4b:s1+s3], $0x80, v4, vm0, $0xb8;
	[tilespmem:$0x10080] =	vst v63  }
0x2a0: {  	s17 =	simm.s32 $0x6880  }
0x2a1: {  	[tilespmem:s17], [sflag:$0x1] =	stream.indirect_vreg.gather [hbm4b:s1+s3], $0x80, v3, vm0, $0xb8;
	[tilespmem:$0x10080] =	vst v63  }
0x2a2: {  	v3 =	vld [tilespmem:$0x70];
	_ =	sdelay $0x4  }
0x2a3: {  	v55 =	vshll.u32 v3, $0x1  }
0x2a4: {  	v3 =	vand.u32 $0x7, v3;
	v4 =	vand.u32 $0xFFFFFFF0, v55  }
0x2a5: {  	v3 =	vor.u32 v3, v4  }
0x2a6: {  	v4 =	vperm.xlane v3, v0;
	_ =	sdelay $0x1  }
0x2a7: {  	v3 =	vperm.xlane v3, v2;
	v4 =	vadd.s32 v1, v4;
	_ =	sdelay $0x1  }
0x2a8: {  	v3 =	vadd.s32 v1, v3;
	_ =	sdelay $0x1  }
0x2a9: {  	s0 =	simm.s32 $0x7080  }
0x2aa: {  	[tilespmem:s0], [sflag:$0x1] =	stream.indirect_vreg.gather [hbm4b:s1+s3], $0x80, v4, vm0, $0xb8;
	[tilespmem:$0x10080] =	vst v63  }
0x2ab: {  	s9 =	simm.s32 $0x7880  }
0x2ac: {  	[tilespmem:s9], [sflag:$0x1] =	stream.indirect_vreg.gather [hbm4b:s1+s3], $0x80, v3, vm0, $0xb8;
	[tilespmem:$0x10080] =	vst v63  }
0x2ad: {  	v3 =	vld [tilespmem:$0x0];
	_ =	sdelay $0x4  }
0x2ae: {  	v56 =	vshll.u32 v3, $0x1  }
0x2af: {  	v3 =	vand.u32 $0x7, v3;
	v4 =	vand.u32 $0xFFFFFFF0, v56  }
0x2b0: {  	v3 =	vor.u32 v3, v4  }
0x2b1: {  	v4 =	vperm.xlane v3, v0;
	_ =	sdelay $0x1  }
0x2b2: {  	v3 =	vperm.xlane v3, v2;
	v4 =	vadd.s32 v1, v4;
	_ =	sdelay $0x1  }
0x2b3: {  	v3 =	vadd.s32 v1, v3;
	_ =	sdelay $0x2  }
0x2b4: {  	[tilespmem:s23], [sflag:$0x2] =	stream.indirect_vreg.gather [hbm4b:s4+s3], $0x80, v4, vm0, $0xb8;
	[tilespmem:$0x10080] =	vst v63  }
0x2b5: {  	s10 =	simm.s32 $0x8880  }
0x2b6: {  	[tilespmem:s10], [sflag:$0x2] =	stream.indirect_vreg.gather [hbm4b:s4+s3], $0x80, v3, vm0, $0xb8;
	[tilespmem:$0x10080] =	vst v63  }
0x2b7: {  	v3 =	vld [tilespmem:$0x10];
	_ =	sdelay $0x4  }
0x2b8: {  	v57 =	vshll.u32 v3, $0x1  }
0x2b9: {  	v3 =	vand.u32 $0x7, v3;
	v4 =	vand.u32 $0xFFFFFFF0, v57  }
0x2ba: {  	v3 =	vor.u32 v3, v4  }
0x2bb: {  	v4 =	vperm.xlane v3, v0;
	_ =	sdelay $0x1  }
0x2bc: {  	v3 =	vperm.xlane v3, v2;
	v4 =	vadd.s32 v1, v4;
	_ =	sdelay $0x1  }
0x2bd: {  	v3 =	vadd.s32 v1, v3;
	_ =	sdelay $0x1  }
0x2be: {  	s2 =	simm.s32 $0x9080  }
0x2bf: {  	[tilespmem:s2], [sflag:$0x2] =	stream.indirect_vreg.gather [hbm4b:s4+s3], $0x80, v4, vm0, $0xb8;
	[tilespmem:$0x10080] =	vst v63  }
0x2c0: {  	s11 =	simm.s32 $0x9880  }
0x2c1: {  	[tilespmem:s11], [sflag:$0x2] =	stream.indirect_vreg.gather [hbm4b:s4+s3], $0x80, v3, vm0, $0xb8;
	[tilespmem:$0x10080] =	vst v63  }
0x2c2: {  	v3 =	vld [tilespmem:$0x20];
	_ =	sdelay $0x4  }
0x2c3: {  	v58 =	vshll.u32 v3, $0x1  }
0x2c4: {  	v3 =	vand.u32 $0x7, v3;
	v4 =	vand.u32 $0xFFFFFFF0, v58  }
0x2c5: {  	v3 =	vor.u32 v3, v4  }
0x2c6: {  	v4 =	vperm.xlane v3, v0;
	_ =	sdelay $0x1  }
0x2c7: {  	v3 =	vperm.xlane v3, v2;
	v4 =	vadd.s32 v1, v4;
	_ =	sdelay $0x1  }
0x2c8: {  	v3 =	vadd.s32 v1, v3;
	_ =	sdelay $0x1  }
0x2c9: {  	s31 =	simm.s32 $0xA080  }
0x2ca: {  	[tilespmem:s31], [sflag:$0x2] =	stream.indirect_vreg.gather [hbm4b:s4+s3], $0x80, v4, vm0, $0xb8;
	[tilespmem:$0x10080] =	vst v63  }
0x2cb: {  	s12 =	simm.s32 $0xA880  }
0x2cc: {  	[tilespmem:s12], [sflag:$0x2] =	stream.indirect_vreg.gather [hbm4b:s4+s3], $0x80, v3, vm0, $0xb8;
	[tilespmem:$0x10080] =	vst v63  }
0x2cd: {  	v3 =	vld [tilespmem:$0x30];
	_ =	sdelay $0x4  }
0x2ce: {  	v59 =	vshll.u32 v3, $0x1  }
0x2cf: {  	v3 =	vand.u32 $0x7, v3;
	v4 =	vand.u32 $0xFFFFFFF0, v59  }
0x2d0: {  	v3 =	vor.u32 v3, v4  }
0x2d1: {  	v4 =	vperm.xlane v3, v0;
	_ =	sdelay $0x1  }
0x2d2: {  	v3 =	vperm.xlane v3, v2;
	v4 =	vadd.s32 v1, v4;
	_ =	sdelay $0x1  }
0x2d3: {  	v3 =	vadd.s32 v1, v3;
	_ =	sdelay $0x1  }
0x2d4: {  	s18 =	simm.s32 $0xB080  }
0x2d5: {  	[tilespmem:s18], [sflag:$0x2] =	stream.indirect_vreg.gather [hbm4b:s4+s3], $0x80, v4, vm0, $0xb8;
	[tilespmem:$0x10080] =	vst v63  }
0x2d6: {  	s26 =	simm.s32 $0xB880  }
0x2d7: {  	[tilespmem:s26], [sflag:$0x2] =	stream.indirect_vreg.gather [hbm4b:s4+s3], $0x80, v3, vm0, $0xb8;
	[tilespmem:$0x10080] =	vst v63  }
0x2d8: {  	v3 =	vld [tilespmem:$0x40];
	_ =	sdelay $0x4  }
0x2d9: {  	v60 =	vshll.u32 v3, $0x1  }
0x2da: {  	v3 =	vand.u32 $0x7, v3;
	v4 =	vand.u32 $0xFFFFFFF0, v60  }
0x2db: {  	v3 =	vor.u32 v3, v4  }
0x2dc: {  	v4 =	vperm.xlane v3, v0;
	_ =	sdelay $0x1  }
0x2dd: {  	v3 =	vperm.xlane v3, v2;
	v4 =	vadd.s32 v1, v4;
	_ =	sdelay $0x1  }
0x2de: {  	v3 =	vadd.s32 v1, v3;
	_ =	sdelay $0x1  }
0x2df: {  	s22 =	simm.s32 $0xC080  }
0x2e0: {  	[tilespmem:s22], [sflag:$0x2] =	stream.indirect_vreg.gather [hbm4b:s4+s3], $0x80, v4, vm0, $0xb8;
	[tilespmem:$0x10080] =	vst v63  }
0x2e1: {  	s29 =	simm.s32 $0xC880  }
0x2e2: {  	[tilespmem:s29], [sflag:$0x2] =	stream.indirect_vreg.gather [hbm4b:s4+s3], $0x80, v3, vm0, $0xb8;
	[tilespmem:$0x10080] =	vst v63  }
0x2e3: {  	v3 =	vld [tilespmem:$0x50];
	_ =	sdelay $0x4  }
0x2e4: {  	v61 =	vshll.u32 v3, $0x1  }
0x2e5: {  	v3 =	vand.u32 $0x7, v3;
	v4 =	vand.u32 $0xFFFFFFF0, v61  }
0x2e6: {  	v3 =	vor.u32 v3, v4  }
0x2e7: {  	v4 =	vperm.xlane v3, v0;
	_ =	sdelay $0x1  }
0x2e8: {  	v3 =	vperm.xlane v3, v2;
	v4 =	vadd.s32 v1, v4;
	_ =	sdelay $0x1  }
0x2e9: {  	v3 =	vadd.s32 v1, v3;
	_ =	sdelay $0x1  }
0x2ea: {  	s24 =	simm.s32 $0xD080  }
0x2eb: {  	[tilespmem:s24], [sflag:$0x2] =	stream.indirect_vreg.gather [hbm4b:s4+s3], $0x80, v4, vm0, $0xb8;
	[tilespmem:$0x10080] =	vst v63  }
0x2ec: {  	s24 =	simm.s32 $0xD880  }
0x2ed: {  	[tilespmem:s24], [sflag:$0x2] =	stream.indirect_vreg.gather [hbm4b:s4+s3], $0x80, v3, vm0, $0xb8;
	[tilespmem:$0x10080] =	vst v63  }
0x2ee: {  	v3 =	vld [tilespmem:$0x60];
	_ =	sdelay $0x4  }
0x2ef: {  	v62 =	vshll.u32 v3, $0x1  }
0x2f0: {  	v3 =	vand.u32 $0x7, v3;
	v4 =	vand.u32 $0xFFFFFFF0, v62  }
0x2f1: {  	v3 =	vor.u32 v3, v4  }
0x2f2: {  	v4 =	vperm.xlane v3, v0;
	_ =	sdelay $0x1  }
0x2f3: {  	v3 =	vperm.xlane v3, v2;
	v4 =	vadd.s32 v1, v4;
	_ =	sdelay $0x1  }
0x2f4: {  	v3 =	vadd.s32 v1, v3;
	_ =	sdelay $0x1  }
0x2f5: {  	s25 =	simm.s32 $0xE080  }
0x2f6: {  	[tilespmem:s25], [sflag:$0x2] =	stream.indirect_vreg.gather [hbm4b:s4+s3], $0x80, v4, vm0, $0xb8;
	[tilespmem:$0x10080] =	vst v63  }
0x2f7: {  	s26 =	simm.s32 $0xE880  }
0x2f8: {  	[tilespmem:s26], [sflag:$0x2] =	stream.indirect_vreg.gather [hbm4b:s4+s3], $0x80, v3, vm0, $0xb8;
	[tilespmem:$0x10080] =	vst v63  }
0x2f9: {  	v3 =	vld [tilespmem:$0x70];
	_ =	sdelay $0x4  }
0x2fa: {  	v63 =	vshll.u32 v3, $0x1  }
0x2fb: {  	v3 =	vand.u32 $0x7, v3;
	v4 =	vand.u32 $0xFFFFFFF0, v63  }
0x2fc: {  	v3 =	vor.u32 v3, v4  }
0x2fd: {  	v4 =	vperm.xlane v3, v0;
	_ =	sdelay $0x1  }
0x2fe: {  	v3 =	vperm.xlane v3, v2;
	v4 =	vadd.s32 v1, v4;
	_ =	sdelay $0x1  }
0x2ff: {  	v3 =	vadd.s32 v1, v3;
	_ =	sdelay $0x1  }
0x300: {  	s28 =	simm.s32 $0xF080  }
0x301: {  	[tilespmem:s28], [sflag:$0x2] =	stream.indirect_vreg.gather [hbm4b:s4+s3], $0x80, v4, vm0, $0xb8;
	[tilespmem:$0x10080] =	vst v63  }
0x302: {  	s19 =	simm.s32 $0xF880  }
0x303: {  	[tilespmem:s19], [sflag:$0x2] =	stream.indirect_vreg.gather [hbm4b:s4+s3], $0x80, v3, vm0, $0xb8;
	[tilespmem:$0x10080] =	vst v63  }
0x304: {  	_ =	swait.ge [sflag:s14], $0x8000  }
0x305: {  	[sflag:s14] =	ssyncset.done $0x0  }
0x306: {  	[sflag:s14] =	ssyncadd.s32 $0xFFFF8000  }
0x307: {  	_ =	swait.ge [sflag:s15], $0x8000  }
0x308: {  	[sflag:s15] =	ssyncset.done $0x0  }
0x309: {  	s29 =	rddreg [dreg:$0xf];
	[sflag:s15] =	ssyncadd.s32 $0xFFFF8000  }
0x30a: {  	[hbm4b:s29+s3] =	stream.linear.scatter [tilespmem:s30], [sflag:$0x3], $0x8000, $0x38;
	[tilespmem:$0x10080] =	vst v63  }
0x30b: {  	_ =	swait.ge [sflag:s6], $0x8000  }
0x30c: {  	p0 =	sne.s32 s5, $0x1;
	[sflag:s6] =	ssyncset.done $0x0  }
.Ltmp0:
0x30d: {  	s31 =	rddreg [dreg:$0x10];
	[sflag:s6] =	ssyncadd.s32 $0xFFFF8000;
	(pc) =	sbr.rel @p0 .LBB2_1-.Ltmp0, $4  }
0x30e: {  	[hbm4b:s31+s3] =	stream.linear.scatter [tilespmem:s23], [sflag:$0x3], $0x8000, $0x38;
	[tilespmem:$0x10080] =	vst v63  }
0x30f: {  	_ =	swait.ge [sflag:s6], $0x8000  }
0x310: {  	[sflag:s6] =	ssyncset.done $0x0  }
0x311: {  	s5 =	sadd.s32 $0xFFFFFFFF, s5;
	[sflag:s6] =	ssyncadd.s32 $0xFFFF8000  }
0x312: {  	_ =	sfence.sel $0x180000  }
0x313: {  	[bflag:$0x0] =	sbarrier.arrive $0xFFFF  }
0x314: {  	_ =	strace $0x90000047  }
0x315: {  	s0 =	stileid.u32;
	[bflag:$0x2] =	sbarrier.arrive $0xFFFF  }
0x316: {  	p0 =	sne.s32 s0, $0x0;
	s0 =	rddreg [dreg:$0x4]  }
0x317: {  	s0 =	sadd.s32 @!p0 $0x100000, s0  }
0x318: {  	[sflag:s0] =	ssyncadd.tile.s32 @!p0 $0x1;
	_ =	shalt  }
.Lfunc_end2:
_tile_overlayer_lowered:
.L_overlay_start_2:
0x319: {  	(tag) =	ssettag $0x2  }
0x31a: {  	s0 =	rddreg [dreg:$0x0];
	s2 =	stileid.u32  }
0x31b: {  	s1 =	rddreg [dreg:$0x1];
	p0 =	sne.s32 s2, $0x0  }
0x31c: {  	s3 =	rddreg [dreg:$0x2];
	[bflag:$0x3] =	sbarrier.arrive $0xFFFF;
	s2 =	simm.s32 @!p0 $0x1C03  }
0x31d: {  	[timem:s3], [sflag:s2] =	dma.local @!p0 [hbm:s0], s1  }
0x31e: {  	s0 =	simm.s32 @!p0 $0x3  }
0x31f: {  	_ =	swait.ge @!p0 [sflag:s0], s1  }
0x320: {  	s1 =	ssub.s32 @!p0 $0x0, s1;
	[sflag:s0] =	ssyncset.done @!p0 $0x0  }
0x321: {  	[sflag:s0] =	ssyncadd.s32 @!p0 s1  }
0x322: {  	[bflag:$0x3] =	sbarrier.arrive $0xFFFF  }
0x323: {  	_ =	shalt  }

</sc_bundles>
